<compile_context>
chip_gen: v7x
topology: tpu7x:2x2x1
jax: 0.10.2.dev20260603
libtpu: 0.0.44.dev20260713+nightly
codegen_flags: <defaults>
</compile_context>

<pallas_src>
import math

import jax
import jax.numpy as jnp
import numpy as np
from jax import lax
from jax.experimental import pallas as pl
from jax.experimental.pallas import tpu as pltpu
from jax.experimental.pallas import tpu_sc as plsc

_N = 10000
_E = 160000
_NUM_ELEMENTS = 100
_D = 32
_MUL_Q = 8
_MUL_K = 8
_MUL_V0 = 16
_MUL_V1 = 8
_NB = 10
_MID = 32
_MAX_R = 6.0
_NGRAPH = 64
_SILU_NORM = 1.6766

_NPAD = 10240
_NW = 32
_CHUNK = 128
_EPW = _E // _NW
_NCHUNK = _EPW // _CHUNK
_TAIL = _EPW - _NCHUNK * _CHUNK
_ROWS_PT = _NPAD // 16
_CW = 48
_SW = 48
_DW = 16

_NODE_B = 1000
_EDGE_B = 640

_INV_D = 1.0 / math.sqrt(_D)
_FAN = math.sqrt(_MUL_Q * _MUL_K * 2.0)
_EMB_SCALE = 1.14136 * math.exp(2.0) * math.sqrt(_NB)
_STEP = _MAX_R / (_NB + 1)

_F32 = jnp.float32
_HIGH = lax.Precision.DEFAULT


def _dot(a, b):
    return lax.dot_general(a, b, (((1,), (0,)), ((), ())),
                           precision=_HIGH, preferred_element_type=_F32)


def _dot_t(a, b):
    return lax.dot_general(a, b, (((0,), (0,)), ((), ())),
                           precision=_HIGH, preferred_element_type=_F32)


_BF = jnp.bfloat16


def _dot_bf(a, b):
    return lax.dot_general(a.astype(_BF), b.astype(_BF),
                           (((1,), (0,)), ((), ())),
                           preferred_element_type=_F32)


def _sel_div(rows, cols, div):
    ri = lax.broadcasted_iota(jnp.int32, (rows, cols), 0)
    ci = lax.broadcasted_iota(jnp.int32, (rows, cols), 1)
    return (ci // div == ri).astype(_F32)


def _sel_mod(rows, cols, mod):
    ri = lax.broadcasted_iota(jnp.int32, (rows, cols), 0)
    ci = lax.broadcasted_iota(jnp.int32, (rows, cols), 1)
    return (ci % mod == ri).astype(_F32)


def _node_body(x_ref, mol_ref, pos_ref, ze_ref, me_ref, wq_ref, wqk_ref,
               ts_ref, td_ref):
    onehot = (x_ref[...] == lax.broadcasted_iota(
        jnp.int32, (_NODE_B, _NUM_ELEMENTS), 1)).astype(_F32)
    hz = _dot(onehot, ze_ref[...])
    hm = jnp.where(mol_ref[...] == 0, me_ref[0:1, :], me_ref[1:2, :])
    p = pos_ref[...]
    ts_ref[:, 0:16] = hz
    ts_ref[:, 16:32] = hm
    ts_ref[:, 32:35] = p
    ts_ref[:, 35:_SW] = jnp.zeros((_NODE_B, _SW - 35), _F32)
    q0 = (_dot(hz, wq_ref[0:16, :]) + _dot(hm, wq_ref[16:32, :])) * _INV_D
    td_ref[:, 0:8] = _dot(q0, wqk_ref[...])
    td_ref[:, 8:11] = p
    td_ref[:, 11:_DW] = jnp.zeros((_NODE_B, _DW - 11), _F32)


def _node_kernel(x2, mol2, pos, Z_emb, mol_emb, W_query, Wqk0):
    grid = _N // _NODE_B
    return pl.pallas_call(
        _node_body,
        grid=(grid,),
        in_specs=[
            pl.BlockSpec((_NODE_B, 1), lambda i: (i, 0)),
            pl.BlockSpec((_NODE_B, 1), lambda i: (i, 0)),
            pl.BlockSpec((_NODE_B, 3), lambda i: (i, 0)),
            pl.BlockSpec(Z_emb.shape, lambda i: (0, 0)),
            pl.BlockSpec(mol_emb.shape, lambda i: (0, 0)),
            pl.BlockSpec(W_query.shape, lambda i: (0, 0)),
            pl.BlockSpec(Wqk0.shape, lambda i: (0, 0)),
        ],
        out_specs=[
            pl.BlockSpec((_NODE_B, _SW), lambda i: (i, 0)),
            pl.BlockSpec((_NODE_B, _DW), lambda i: (i, 0)),
        ],
        out_shape=[
            jax.ShapeDtypeStruct((_N, _SW), _F32),
            jax.ShapeDtypeStruct((_N, _DW), _F32),
        ],
    )(x2, mol2, pos, Z_emb, mol_emb, W_query, Wqk0)


def _gather_body(ts_hbm, td_hbm, src_hbm, dst_hbm, sr_out, dr_out,
                 idx_s, idx_d, bs, bd, idx_st, idx_dt, bst, bdt, sem):
    wid = lax.axis_index("s") * 2 + lax.axis_index("c")
    base0 = wid * _EPW

    def chunk(k, _):
        base = base0 + k * _CHUNK
        pltpu.sync_copy(src_hbm.at[pl.ds(base, _CHUNK)], idx_s)
        pltpu.sync_copy(dst_hbm.at[pl.ds(base, _CHUNK)], idx_d)
        cp1 = pltpu.async_copy(ts_hbm.at[idx_s], bs, sem)
        cp2 = pltpu.async_copy(td_hbm.at[idx_d], bd, sem)
        cp1.wait()
        cp2.wait()
        pltpu.sync_copy(bs, sr_out.at[pl.ds(base, _CHUNK)])
        pltpu.sync_copy(bd, dr_out.at[pl.ds(base, _CHUNK)])
        return ()

    lax.fori_loop(0, _NCHUNK, chunk, ())

    tbase = base0 + _NCHUNK * _CHUNK
    pltpu.sync_copy(src_hbm.at[pl.ds(tbase, _TAIL)], idx_st)
    pltpu.sync_copy(dst_hbm.at[pl.ds(tbase, _TAIL)], idx_dt)
    cp1 = pltpu.async_copy(ts_hbm.at[idx_st], bst, sem)
    cp2 = pltpu.async_copy(td_hbm.at[idx_dt], bdt, sem)
    cp1.wait()
    cp2.wait()
    pltpu.sync_copy(bst, sr_out.at[pl.ds(tbase, _TAIL)])
    pltpu.sync_copy(bdt, dr_out.at[pl.ds(tbase, _TAIL)])


def _gather_kernel(ts, td, srcp, dstp):
    mesh = plsc.VectorSubcoreMesh(core_axis_name="c", subcore_axis_name="s",
                                  num_cores=2, num_subcores=16)
    f = pl.kernel(
        _gather_body,
        out_type=[
            jax.ShapeDtypeStruct((_E, _SW), _F32),
            jax.ShapeDtypeStruct((_E, _DW), _F32),
        ],
        mesh=mesh,
        scratch_types=[
            pltpu.VMEM((_CHUNK,), jnp.int32),
            pltpu.VMEM((_CHUNK,), jnp.int32),
            pltpu.VMEM((_CHUNK, _SW), _F32),
            pltpu.VMEM((_CHUNK, _DW), _F32),
            pltpu.VMEM((_TAIL,), jnp.int32),
            pltpu.VMEM((_TAIL,), jnp.int32),
            pltpu.VMEM((_TAIL, _SW), _F32),
            pltpu.VMEM((_TAIL, _DW), _F32),
            pltpu.SemaphoreType.DMA,
        ],
        compiler_params=pltpu.CompilerParams(use_tc_tiling_on_sc=False),
    )
    return f(ts, td, srcp, dstp)


def _edge_body(sr_ref, dr_ref, w1k_ref, w2k_ref, w1v_ref, w2v_ref, out_ref):
    hs = sr_ref[:, 0:32]
    qtd = dr_ref[:, 0:8]
    vec = sr_ref[:, 32:35] - dr_ref[:, 8:11]
    d2s = jnp.sum(vec * vec, axis=1, keepdims=True)
    elen = jnp.sqrt(d2s + 1e-12)

    centers = _STEP * (lax.broadcasted_iota(
        jnp.int32, (_EDGE_B, _NB), 1).astype(_F32) + 1.0)
    diff = (elen - centers) / _STEP
    d2 = diff * diff
    safe = jnp.exp(-1.0 / jnp.maximum(1.0 - jnp.minimum(d2, 1.0 - 1e-6), 1e-6))
    emb = _EMB_SCALE * jnp.where(d2 < 1.0, safe, 0.0)

    t = 10.0 * (1.0 - elen / _MAX_R)
    cutoff = jnp.where(t > 0.0, jnp.exp(-1.0 / jnp.maximum(t, 1e-9)), 0.0)

    ak = _dot(emb, w1k_ref[...]) * (1.0 / math.sqrt(_NB))
    hk = ak * jax.nn.sigmoid(ak) * _SILU_NORM
    av = _dot(emb, w1v_ref[...]) * (1.0 / math.sqrt(_NB))
    hv = av * jax.nn.sigmoid(av) * _SILU_NORM

    kw = _dot(hk, w2k_ref[...])
    vw = _dot(hv, w2v_ref[...])

    hs_rep8 = _dot(hs, _sel_div(_D, _D * _MUL_K, _MUL_K))
    qtd_rep = _dot(qtd, _sel_mod(_MUL_K, _D * _MUL_K, _MUL_K))
    qk = jnp.sum(kw * hs_rep8 * qtd_rep, axis=1, keepdims=True)

    expv = cutoff * jnp.exp(qk)
    w = jnp.sqrt(expv)

    hs_rep16 = _dot(hs, _sel_div(_D, _D * _MUL_V0, _MUL_V0))
    v0 = _dot(hs_rep16 * vw[:, 0:512],
              _sel_mod(_MUL_V0, _D * _MUL_V0, _MUL_V0).T)
    vv1 = _dot(hs_rep8 * vw[:, 512:768],
               _sel_mod(_MUL_V1, _D * _MUL_V1, _MUL_V1).T)

    ri = lax.broadcasted_iota(jnp.int32, (3, 3), 0)
    ci = lax.broadcasted_iota(jnp.int32, (3, 3), 1)
    perm = (ri == (ci + 1) % 3).astype(_F32)
    sh1 = _dot(vec, perm) * (math.sqrt(3.0) / jnp.maximum(elen, 1e-9))

    v1p = _dot(vv1, _sel_div(_MUL_V1, 3 * _MUL_V1, 3)) \
        * _dot(sh1, _sel_mod(3, 3 * _MUL_V1, 3))

    out_ref[:, 0:16] = w * v0
    out_ref[:, 16:40] = w * v1p
    out_ref[:, 40:41] = expv
    out_ref[:, 41:_CW] = jnp.zeros((_EDGE_B, _CW - 41), _F32)


_SEL_R8 = np.kron(np.eye(_D, dtype=np.float32), np.ones((1, _MUL_K), np.float32))
_SEL_T8 = np.kron(np.ones((1, _D), np.float32), np.eye(_MUL_K, dtype=np.float32))
_SEL_R16 = np.kron(np.eye(_D, dtype=np.float32), np.ones((1, _MUL_V0), np.float32))
_SEL_S16T = np.kron(np.ones((_D, 1), np.float32), np.eye(_MUL_V0, dtype=np.float32))
_SEL_S8T = np.kron(np.ones((_D, 1), np.float32), np.eye(_MUL_V1, dtype=np.float32))
_SEL_R3 = np.kron(np.eye(_MUL_V1, dtype=np.float32), np.ones((1, 3), np.float32))
_SEL_T3 = np.kron(np.ones((1, _MUL_V1), np.float32), np.eye(3, dtype=np.float32))
_PERM3 = np.array([[0, 0, 1], [1, 0, 0], [0, 1, 0]], np.float32)
_EPSROW = np.array([[1e-6] * _NB + [1e-9]], np.float32)
_SEL_DIV8 = np.kron(np.eye(_D, dtype=np.float32), np.ones((_MUL_K, 1), np.float32))
_ONES32 = np.ones((_D, 1), np.float32)


def _edge_kernel(sr, dr, W1k, W2k_s, W1v, W2v_s):
    grid = _E // _EDGE_B
    return pl.pallas_call(
        _edge_body,
        grid=(grid,),
        in_specs=[
            pl.BlockSpec((_EDGE_B, _SW), lambda i: (i, 0)),
            pl.BlockSpec((_EDGE_B, _DW), lambda i: (i, 0)),
            pl.BlockSpec(W1k.shape, lambda i: (0, 0)),
            pl.BlockSpec(W2k_s.shape, lambda i: (0, 0)),
            pl.BlockSpec(W1v.shape, lambda i: (0, 0)),
            pl.BlockSpec(W2v_s.shape, lambda i: (0, 0)),
        ],
        out_specs=pl.BlockSpec((_EDGE_B, _CW), lambda i: (i, 0)),
        out_shape=jax.ShapeDtypeStruct((_E, _CW), _F32),
    )(sr, dr, W1k, W2k_s, W1v, W2v_s)


def _scatter_body(contrib_hbm, dst_hbm, zeros_hbm, acc_out,
                  idx, rows, idx_t, rows_t, acc_sh):
    c = lax.axis_index("c")
    s = lax.axis_index("s")
    wid = s * 2 + c
    base0 = wid * _EPW
    pltpu.sync_copy(zeros_hbm, acc_sh.at[pl.ds(s * _ROWS_PT, _ROWS_PT)])
    plsc.subcore_barrier()

    def chunk(k, _):
        base = base0 + k * _CHUNK
        pltpu.sync_copy(dst_hbm.at[pl.ds(base, _CHUNK)], idx)
        pltpu.sync_copy(contrib_hbm.at[pl.ds(base, _CHUNK)], rows)
        pltpu.sync_copy(rows, acc_sh.at[idx], add=True)
        return ()

    lax.fori_loop(0, _NCHUNK, chunk, ())

    tbase = base0 + _NCHUNK * _CHUNK
    pltpu.sync_copy(dst_hbm.at[pl.ds(tbase, _TAIL)], idx_t)
    pltpu.sync_copy(contrib_hbm.at[pl.ds(tbase, _TAIL)], rows_t)
    pltpu.sync_copy(rows_t, acc_sh.at[idx_t], add=True)

    plsc.subcore_barrier()
    pltpu.sync_copy(acc_sh.at[pl.ds(s * _ROWS_PT, _ROWS_PT)],
                    acc_out.at[c, pl.ds(s * _ROWS_PT, _ROWS_PT)])


def _scatter_kernel(contrib, dstp, zrows):
    mesh = plsc.VectorSubcoreMesh(core_axis_name="c", subcore_axis_name="s",
                                  num_cores=2, num_subcores=16)
    f = pl.kernel(
        _scatter_body,
        out_type=jax.ShapeDtypeStruct((2, _NPAD, _CW), _F32),
        mesh=mesh,
        scratch_types=[
            pltpu.VMEM((_CHUNK,), jnp.int32),
            pltpu.VMEM((_CHUNK, _CW), _F32),
            pltpu.VMEM((_TAIL,), jnp.int32),
            pltpu.VMEM((_TAIL, _CW), _F32),
            pltpu.VMEM_SHARED((_NPAD, _CW), _F32),
        ],
        compiler_params=pltpu.CompilerParams(use_tc_tiling_on_sc=False),
    )
    return f(contrib, dstp, zrows)


_FIN_B = 1024


def _final_body(acc_ref, batch_ref, out_ref, cnt_ref):
    a = acc_ref[0] + acc_ref[1]
    z = a[:, 40:41]
    scale = jnp.where(z > 0.0, lax.rsqrt(jnp.maximum(z, 1e-30)), 0.0)
    norm = a[:, 0:40] * scale
    onehot = (batch_ref[...] == lax.broadcasted_iota(
        jnp.int32, (_FIN_B, _NGRAPH), 1)).astype(_F32)
    pid = pl.program_id(0)

    @pl.when(pid == 0)
    def _():
        out_ref[...] = jnp.zeros_like(out_ref)
        cnt_ref[...] = jnp.zeros_like(cnt_ref)

    out_ref[...] += _dot_t(onehot, norm)
    cnt_ref[...] += _dot_t(onehot, jnp.ones((_FIN_B, 1), _F32))

    @pl.when(pid == pl.num_programs(0) - 1)
    def _():
        out_ref[...] = out_ref[...] / jnp.maximum(cnt_ref[...], 1.0)


def _final_kernel(accs, batch2):
    grid = _NPAD // _FIN_B
    out, _ = pl.pallas_call(
        _final_body,
        grid=(grid,),
        in_specs=[
            pl.BlockSpec((2, _FIN_B, _CW), lambda i: (0, i, 0)),
            pl.BlockSpec((_FIN_B, 1), lambda i: (i, 0)),
        ],
        out_specs=[
            pl.BlockSpec((_NGRAPH, 40), lambda i: (0, 0)),
            pl.BlockSpec((_NGRAPH, 1), lambda i: (0, 0)),
        ],
        out_shape=[
            jax.ShapeDtypeStruct((_NGRAPH, 40), _F32),
            jax.ShapeDtypeStruct((_NGRAPH, 1), _F32),
        ],
    )(accs, batch2)
    return out


def kernel(x, pos, mol_id, batch, edge_index, Z_emb, mol_emb, W_query,
           W1k, W2k, W1v, W2v, Wqk0, Wqk1):
    del Wqk1
    x2 = x.astype(jnp.int32).reshape(_N, 1)
    mol2 = mol_id.astype(jnp.int32).reshape(_N, 1)
    batch2 = jnp.pad(batch.astype(jnp.int32), (0, _NPAD - _N),
                     constant_values=_NGRAPH).reshape(_NPAD, 1)
    srcp = edge_index[0].astype(jnp.int32)
    dstp = edge_index[1].astype(jnp.int32)

    W2k_s = (W2k[:, : _D * _MUL_K]
             * (_INV_D / _FAN / math.sqrt(_MID))).astype(_F32)
    W2v_s = (W2v * (_INV_D / math.sqrt(_MID))).astype(_F32)

    ts, td = _node_kernel(x2, mol2, pos.astype(_F32), Z_emb.astype(_F32),
                          mol_emb.astype(_F32), W_query.astype(_F32),
                          Wqk0.astype(_F32))
    sr, dr = _gather_kernel(ts, td, srcp, dstp)
    contrib = _edge_kernel(sr, dr, W1k.astype(_F32), W2k_s,
                           W1v.astype(_F32), W2v_s)
    zrows = jnp.zeros((_ROWS_PT, _CW), _F32)
    accs = _scatter_kernel(contrib, dstp, zrows)
    return _final_kernel(accs, batch2)

# --- scband reference (transcript-rebuilt; emitter-appended) ---
"""Pipeline reference for scband-transformer-58566174048399 (READ-ONLY COPY).

The authoritative reference and input builder live on the scoring server;
editing this copy changes nothing except your own understanding.
"""

import jax, jax.numpy as jnp
import numpy as np

N = 10000
E = 160000
NUM_ELEMENTS = 100
D_Z = 16
D_MOL = 16
D = D_Z + D_MOL
MUL_Q = 8
MUL_K = 8
MUL_V0 = 16
MUL_V1 = 8
NB = 10
MID = 32
MAX_R = 6.0
NGRAPH = 64
OUT_DIM = MUL_V0 + 3 * MUL_V1
WK_NUMEL = D * MUL_K * 2
WV_NUMEL = D * (MUL_V0 + MUL_V1)
SILU_NORM = 1.6766


def _soft_one_hot(lengths):
    values = np.linspace(0.0, MAX_R, NB + 2)
    step = values[1] - values[0]
    centers = jnp.asarray(values[1:-1], dtype=jnp.float32)
    diff = (lengths[:, None] - centers[None, :]) / step
    d2 = diff * diff
    safe = jnp.exp(-1.0 / jnp.maximum(1.0 - jnp.minimum(d2, 1.0 - 1e-6), 1e-6))
    y = jnp.where(d2 < 1.0, safe, 0.0)
    return 1.14136 * np.exp(2.0) * y * np.sqrt(NB)


def _soft_unit_step(t):
    return jnp.where(t > 0.0, jnp.exp(-1.0 / jnp.maximum(t, 1e-9)), 0.0)


def _sph(vec, length):
    u = vec / jnp.maximum(length, 1e-9)[:, None]
    xx, yy, zz = u[:, 0], u[:, 1], u[:, 2]
    sh0 = jnp.ones_like(xx)
    sh1 = np.sqrt(3.0) * jnp.stack([yy, zz, xx], axis=-1)
    return sh0, sh1


def _fc(e, W1, W2):
    h = jax.nn.silu(e @ W1 / np.sqrt(NB)) * SILU_NORM
    return h @ W2 / np.sqrt(MID)


def _forward(pos, Z_emb, mol_emb, W_query, W1k, W2k, W1v, W2v, Wqk0, Wqk1, x, mol_id, batch, edge_index):
    h = jnp.concatenate([Z_emb[x], mol_emb[mol_id]], axis=-1)
    src, dst = edge_index[0], edge_index[1]
    edge_vec = pos[src] - pos[dst]
    edge_len = jnp.sqrt(jnp.sum(edge_vec * edge_vec, axis=1) + 1e-12)
    emb = _soft_one_hot(edge_len)
    cutoff = _soft_unit_step(10.0 * (1.0 - edge_len / MAX_R))
    sh0, sh1 = _sph(edge_vec, edge_len)
    q0 = h @ W_query / np.sqrt(D)
    q1 = jnp.zeros((h.shape[0], MUL_Q, 3), dtype=h.dtype)
    kw = _fc(emb, W1k, W2k)
    Wk0 = kw[:, : D * MUL_K].reshape(-1, D, MUL_K)
    Wk1 = kw[:, D * MUL_K :].reshape(-1, D, MUL_K)
    hs = h[src]
    inv = 1.0 / np.sqrt(D)
    k0 = jnp.einsum('eu,euw->ew', hs, Wk0) * sh0[:, None] * inv
    k1 = jnp.einsum('eu,euw->ew', hs, Wk1)[:, :, None] * sh1[:, None, :] * inv
    vw = _fc(emb, W1v, W2v)
    Wv0 = vw[:, : D * MUL_V0].reshape(-1, D, MUL_V0)
    Wv1 = vw[:, D * MUL_V0 :].reshape(-1, D, MUL_V1)
    v0 = jnp.einsum('eu,euw->ew', hs, Wv0) * sh0[:, None] * inv
    v1 = jnp.einsum('eu,euw->ew', hs, Wv1)[:, :, None] * sh1[:, None, :] * inv
    value = jnp.concatenate([v0, v1.reshape(v1.shape[0], -1)], axis=1)
    qd0 = q0[dst]
    qd1 = q1[dst]
    fan = np.sqrt(MUL_Q * MUL_K * 2.0)
    qk = (jnp.einsum('eu,ev,uv->e', qd0, k0, Wqk0) + jnp.einsum('eum,evm,uv->e', qd1, k1, Wqk1) / np.sqrt(3.0)) / fan
    expv = cutoff * jnp.exp(qk)
    z = jax.ops.segment_sum(expv, dst, num_segments=N)
    z = jnp.where(z == 0.0, 1.0, z)
    alpha = expv / z[dst]
    attention = jnp.sqrt(jax.nn.relu(alpha))
    attended = attention[:, None] * value
    out = jax.ops.segment_sum(attended, dst, num_segments=N)
    cnt = jax.ops.segment_sum(jnp.ones((N,), dtype=out.dtype), batch, num_segments=NGRAPH)
    return jax.ops.segment_sum(out, batch, num_segments=NGRAPH) / jnp.maximum(cnt, 1.0)[:, None]


def setup_inputs():
    ks = jax.random.split(jax.random.key(0), 16)
    x = jax.random.randint(ks[0], (N,), 0, NUM_ELEMENTS)
    pos = 0.5 * jax.random.normal(ks[1], (N, 3), dtype=jnp.float32)
    mol_id = jax.random.randint(ks[2], (N,), 0, 2)
    batch = jnp.sort(jax.random.randint(ks[3], (N,), 0, NGRAPH))
    src = jax.random.randint(ks[4], (E,), 0, N)
    off = jax.random.randint(ks[5], (E,), 1, N)
    edge_index = jnp.stack([src, (src + off) % N], axis=0)
    Z_emb = jax.random.normal(ks[6], (NUM_ELEMENTS, D_Z), dtype=jnp.float32)
    mol_emb = jax.random.normal(ks[7], (2, D_MOL), dtype=jnp.float32)
    W_query = jax.random.normal(ks[8], (D, MUL_Q), dtype=jnp.float32)
    W1k = jax.random.normal(ks[9], (NB, MID), dtype=jnp.float32)
    W2k = jax.random.normal(ks[10], (MID, WK_NUMEL), dtype=jnp.float32)
    W1v = jax.random.normal(ks[11], (NB, MID), dtype=jnp.float32)
    W2v = jax.random.normal(ks[12], (MID, WV_NUMEL), dtype=jnp.float32)
    Wqk0 = jax.random.normal(ks[13], (MUL_Q, MUL_K), dtype=jnp.float32)
    Wqk1 = jax.random.normal(ks[14], (MUL_Q, MUL_K), dtype=jnp.float32)
    return {'x': x, 'pos': pos, 'mol_id': mol_id, 'batch': batch, 'edge_index': edge_index, 'Z_emb': Z_emb, 'mol_emb': mol_emb, 'W_query': W_query, 'W1k': W1k, 'W2k': W2k, 'W1v': W1v, 'W2v': W2v, 'Wqk0': Wqk0, 'Wqk1': Wqk1}


def reference(x, pos, mol_id, batch, edge_index, Z_emb, mol_emb, W_query, W1k, W2k, W1v, W2v, Wqk0, Wqk1):
    return _forward(pos, Z_emb, mol_emb, W_query, W1k, W2k, W1v, W2v, Wqk0, Wqk1, x, mol_id, batch, edge_index)

if __name__ == "__main__":
    import jax
    _d = setup_inputs()
    print(jax.jit(kernel)(*tuple(_d.values())))

</pallas_src>

<mosaic_0001>
#map = affine_map<(d0, d1) -> (0, 0)>
#map1 = affine_map<(d0, d1) -> (0)>
module attributes {stable_mosaic.version = 14 : i64} {
  func.func @_gather_body(%arg0: i32, %arg1: i32, %arg2: memref<10000x48xf32, #tpu.memory_space<hbm>>, %arg3: memref<10000x16xf32, #tpu.memory_space<hbm>>, %arg4: memref<160000xi32, #tpu.memory_space<hbm>>, %arg5: memref<160000xi32, #tpu.memory_space<hbm>>, %arg6: memref<160000x48xf32, #tpu.memory_space<hbm>>, %arg7: memref<160000x16xf32, #tpu.memory_space<hbm>>, %arg8: memref<128xi32, #tpu.memory_space<vmem>>, %arg9: memref<128xi32, #tpu.memory_space<vmem>>, %arg10: memref<128x48xf32, #tpu.memory_space<vmem>>, %arg11: memref<128x16xf32, #tpu.memory_space<vmem>>, %arg12: memref<8xi32, #tpu.memory_space<vmem>>, %arg13: memref<8xi32, #tpu.memory_space<vmem>>, %arg14: memref<8x48xf32, #tpu.memory_space<vmem>>, %arg15: memref<8x16xf32, #tpu.memory_space<vmem>>, %arg16: memref<!tpu.dma_semaphore, #tpu.memory_space<semaphore_mem>>) attributes {dimension_semantics = [#tpu.dimension_semantics<core_parallel>, #tpu.dimension_semantics<subcore_parallel>], iteration_bounds = array<i64: 2, 16>, scalar_prefetch = 0 : i64, scratch_operands = 9 : i64, tpu.core_type = #tpu.core_type<sc_vector_subcore>, window_params = [{transform_indices = #map}, {transform_indices = #map}, {transform_indices = #map1}, {transform_indices = #map1}, {transform_indices = #map}, {transform_indices = #map}]} {
    %mul3A = arith.constant 2 : i32
    %mul3A_0 = arith.muli %arg1, %mul3A : i32
    %add3A = arith.addi %mul3A_0, %arg0 : i32
    %mul3A_1 = arith.constant 5000 : i32
    %mul3A_2 = arith.muli %add3A, %mul3A_1 : i32
    %scan3A = arith.constant 0 : i32
    %scan3A_3 = arith.constant 39 : i32
    %scan3A_4 = arith.addi %scan3A, %scan3A_3 : i32
    %scan3A_5 = arith.constant 1 : i32
    scf.for %scan3A_19 = %scan3A to %scan3A_4 step %scan3A_5  : i32 {
      %mul3A_20 = arith.constant 128 : i32
      %mul3A_21 = arith.muli %scan3A_19, %mul3A_20 : i32
      %add3A_22 = arith.addi %mul3A_2, %mul3A_21 : i32
      "tpu.region"() ({
        %run_scoped3A = tpu.sem_alloc : memref<!tpu.dma_semaphore, #tpu.memory_space<semaphore_mem>>
        %dma_start3A_35 = tpu.memref_slice %arg4[%add3A_22] : memref<160000xi32, #tpu.memory_space<hbm>> -> memref<128xi32, #tpu.memory_space<hbm>>
        %dma_start3A_36 = tpu.memref_slice %arg4[%add3A_22] : memref<160000xi32, #tpu.memory_space<hbm>> -> memref<128xi32, #tpu.memory_space<hbm>>
        tpu.enqueue_dma source(%dma_start3A_36 : memref<128xi32, #tpu.memory_space<hbm>>) target(%arg8 : memref<128xi32, #tpu.memory_space<vmem>>) target_semaphore(%run_scoped3A : memref<!tpu.dma_semaphore, #tpu.memory_space<semaphore_mem>>)
        %dma_wait3A_37 = tpu.memref_slice %arg4[%add3A_22] : memref<160000xi32, #tpu.memory_space<hbm>> -> memref<128xi32, #tpu.memory_space<hbm>>
        %dma_wait3A_38 = tpu.memref_slice %arg4[%add3A_22] : memref<160000xi32, #tpu.memory_space<hbm>> -> memref<128xi32, #tpu.memory_space<hbm>>
        tpu.wait_dma2 semaphore(%run_scoped3A : memref<!tpu.dma_semaphore, #tpu.memory_space<semaphore_mem>>) src(%dma_wait3A_38 : memref<128xi32, #tpu.memory_space<hbm>>) dst(%arg8 : memref<128xi32, #tpu.memory_space<vmem>>)
        tpu.yield
      }) : () -> ()
      "tpu.region"() ({
        %run_scoped3A = tpu.sem_alloc : memref<!tpu.dma_semaphore, #tpu.memory_space<semaphore_mem>>
        %dma_start3A_35 = tpu.memref_slice %arg5[%add3A_22] : memref<160000xi32, #tpu.memory_space<hbm>> -> memref<128xi32, #tpu.memory_space<hbm>>
        %dma_start3A_36 = tpu.memref_slice %arg5[%add3A_22] : memref<160000xi32, #tpu.memory_space<hbm>> -> memref<128xi32, #tpu.memory_space<hbm>>
        tpu.enqueue_dma source(%dma_start3A_36 : memref<128xi32, #tpu.memory_space<hbm>>) target(%arg9 : memref<128xi32, #tpu.memory_space<vmem>>) target_semaphore(%run_scoped3A : memref<!tpu.dma_semaphore, #tpu.memory_space<semaphore_mem>>)
        %dma_wait3A_37 = tpu.memref_slice %arg5[%add3A_22] : memref<160000xi32, #tpu.memory_space<hbm>> -> memref<128xi32, #tpu.memory_space<hbm>>
        %dma_wait3A_38 = tpu.memref_slice %arg5[%add3A_22] : memref<160000xi32, #tpu.memory_space<hbm>> -> memref<128xi32, #tpu.memory_space<hbm>>
        tpu.wait_dma2 semaphore(%run_scoped3A : memref<!tpu.dma_semaphore, #tpu.memory_space<semaphore_mem>>) src(%dma_wait3A_38 : memref<128xi32, #tpu.memory_space<hbm>>) dst(%arg9 : memref<128xi32, #tpu.memory_space<vmem>>)
        tpu.yield
      }) : () -> ()
      %dma_start3A_23 = arith.constant 0 : i32
      %dma_start3A_24 = arith.constant 0 : i32
      %dma_start3A_25 = tpu.memref_slice %arg2[%dma_start3A_23, %dma_start3A_24] : memref<10000x48xf32, #tpu.memory_space<hbm>> -> memref<10000x48xf32, #tpu.memory_space<hbm>>
      tpu.enqueue_indirect_dma source(%dma_start3A_25 : memref<10000x48xf32, #tpu.memory_space<hbm>>) target(%arg10 : memref<128x48xf32, #tpu.memory_space<vmem>>) offsets(%arg8 : memref<128xi32, #tpu.memory_space<vmem>>) semaphore(%arg16 : memref<!tpu.dma_semaphore, #tpu.memory_space<semaphore_mem>>)
      %dma_start3A_26 = arith.constant 0 : i32
      %dma_start3A_27 = arith.constant 0 : i32
      %dma_start3A_28 = tpu.memref_slice %arg3[%dma_start3A_26, %dma_start3A_27] : memref<10000x16xf32, #tpu.memory_space<hbm>> -> memref<10000x16xf32, #tpu.memory_space<hbm>>
      tpu.enqueue_indirect_dma source(%dma_start3A_28 : memref<10000x16xf32, #tpu.memory_space<hbm>>) target(%arg11 : memref<128x16xf32, #tpu.memory_space<vmem>>) offsets(%arg9 : memref<128xi32, #tpu.memory_space<vmem>>) semaphore(%arg16 : memref<!tpu.dma_semaphore, #tpu.memory_space<semaphore_mem>>)
      %dma_wait3A_29 = arith.constant 0 : i32
      %dma_wait3A_30 = arith.constant 0 : i32
      %dma_wait3A_31 = tpu.memref_slice %arg2[%dma_wait3A_29, %dma_wait3A_30] : memref<10000x48xf32, #tpu.memory_space<hbm>> -> memref<10000x48xf32, #tpu.memory_space<hbm>>
      tpu.wait_indirect_dma semaphore(%arg16 : memref<!tpu.dma_semaphore, #tpu.memory_space<semaphore_mem>>) src(%dma_wait3A_31 : memref<10000x48xf32, #tpu.memory_space<hbm>>) dst(%arg10 : memref<128x48xf32, #tpu.memory_space<vmem>>)
      %dma_wait3A_32 = arith.constant 0 : i32
      %dma_wait3A_33 = arith.constant 0 : i32
      %dma_wait3A_34 = tpu.memref_slice %arg3[%dma_wait3A_32, %dma_wait3A_33] : memref<10000x16xf32, #tpu.memory_space<hbm>> -> memref<10000x16xf32, #tpu.memory_space<hbm>>
      tpu.wait_indirect_dma semaphore(%arg16 : memref<!tpu.dma_semaphore, #tpu.memory_space<semaphore_mem>>) src(%dma_wait3A_34 : memref<10000x16xf32, #tpu.memory_space<hbm>>) dst(%arg11 : memref<128x16xf32, #tpu.memory_space<vmem>>)
      "tpu.region"() ({
        %run_scoped3A = tpu.sem_alloc : memref<!tpu.dma_semaphore, #tpu.memory_space<semaphore_mem>>
        %dma_start3A_35 = arith.constant 0 : i32
        %dma_start3A_36 = tpu.memref_slice %arg6[%add3A_22, %dma_start3A_35] : memref<160000x48xf32, #tpu.memory_space<hbm>> -> memref<128x48xf32, #tpu.memory_space<hbm>>
        %dma_start3A_37 = arith.constant 0 : i32
        %dma_start3A_38 = tpu.memref_slice %arg6[%add3A_22, %dma_start3A_37] : memref<160000x48xf32, #tpu.memory_space<hbm>> -> memref<128x48xf32, #tpu.memory_space<hbm>>
        tpu.enqueue_dma source(%arg10 : memref<128x48xf32, #tpu.memory_space<vmem>>) target(%dma_start3A_38 : memref<128x48xf32, #tpu.memory_space<hbm>>) target_semaphore(%run_scoped3A : memref<!tpu.dma_semaphore, #tpu.memory_space<semaphore_mem>>)
        %dma_wait3A_39 = arith.constant 0 : i32
        %dma_wait3A_40 = tpu.memref_slice %arg6[%add3A_22, %dma_wait3A_39] : memref<160000x48xf32, #tpu.memory_space<hbm>> -> memref<128x48xf32, #tpu.memory_space<hbm>>
        %dma_wait3A_41 = arith.constant 0 : i32
        %dma_wait3A_42 = tpu.memref_slice %arg6[%add3A_22, %dma_wait3A_41] : memref<160000x48xf32, #tpu.memory_space<hbm>> -> memref<128x48xf32, #tpu.memory_space<hbm>>
        tpu.wait_dma2 semaphore(%run_scoped3A : memref<!tpu.dma_semaphore, #tpu.memory_space<semaphore_mem>>) src(%arg10 : memref<128x48xf32, #tpu.memory_space<vmem>>) dst(%dma_wait3A_42 : memref<128x48xf32, #tpu.memory_space<hbm>>)
        tpu.yield
      }) : () -> ()
      "tpu.region"() ({
        %run_scoped3A = tpu.sem_alloc : memref<!tpu.dma_semaphore, #tpu.memory_space<semaphore_mem>>
        %dma_start3A_35 = arith.constant 0 : i32
        %dma_start3A_36 = tpu.memref_slice %arg7[%add3A_22, %dma_start3A_35] : memref<160000x16xf32, #tpu.memory_space<hbm>> -> memref<128x16xf32, #tpu.memory_space<hbm>>
        %dma_start3A_37 = arith.constant 0 : i32
        %dma_start3A_38 = tpu.memref_slice %arg7[%add3A_22, %dma_start3A_37] : memref<160000x16xf32, #tpu.memory_space<hbm>> -> memref<128x16xf32, #tpu.memory_space<hbm>>
        tpu.enqueue_dma source(%arg11 : memref<128x16xf32, #tpu.memory_space<vmem>>) target(%dma_start3A_38 : memref<128x16xf32, #tpu.memory_space<hbm>>) target_semaphore(%run_scoped3A : memref<!tpu.dma_semaphore, #tpu.memory_space<semaphore_mem>>)
        %dma_wait3A_39 = arith.constant 0 : i32
        %dma_wait3A_40 = tpu.memref_slice %arg7[%add3A_22, %dma_wait3A_39] : memref<160000x16xf32, #tpu.memory_space<hbm>> -> memref<128x16xf32, #tpu.memory_space<hbm>>
        %dma_wait3A_41 = arith.constant 0 : i32
        %dma_wait3A_42 = tpu.memref_slice %arg7[%add3A_22, %dma_wait3A_41] : memref<160000x16xf32, #tpu.memory_space<hbm>> -> memref<128x16xf32, #tpu.memory_space<hbm>>
        tpu.wait_dma2 semaphore(%run_scoped3A : memref<!tpu.dma_semaphore, #tpu.memory_space<semaphore_mem>>) src(%arg11 : memref<128x16xf32, #tpu.memory_space<vmem>>) dst(%dma_wait3A_42 : memref<128x16xf32, #tpu.memory_space<hbm>>)
        tpu.yield
      }) : () -> ()
    }
    %scan3A_6 = arith.constant 39 : i32
    %add3A_7 = arith.constant 4992 : i32
    %add3A_8 = arith.addi %mul3A_2, %add3A_7 : i32
    "tpu.region"() ({
      %run_scoped3A = tpu.sem_alloc : memref<!tpu.dma_semaphore, #tpu.memory_space<semaphore_mem>>
      %dma_start3A_19 = tpu.memref_slice %arg4[%add3A_8] : memref<160000xi32, #tpu.memory_space<hbm>> -> memref<8xi32, #tpu.memory_space<hbm>>
      %dma_start3A_20 = tpu.memref_slice %arg4[%add3A_8] : memref<160000xi32, #tpu.memory_space<hbm>> -> memref<8xi32, #tpu.memory_space<hbm>>
      tpu.enqueue_dma source(%dma_start3A_20 : memref<8xi32, #tpu.memory_space<hbm>>) target(%arg12 : memref<8xi32, #tpu.memory_space<vmem>>) target_semaphore(%run_scoped3A : memref<!tpu.dma_semaphore, #tpu.memory_space<semaphore_mem>>)
      %dma_wait3A_21 = tpu.memref_slice %arg4[%add3A_8] : memref<160000xi32, #tpu.memory_space<hbm>> -> memref<8xi32, #tpu.memory_space<hbm>>
      %dma_wait3A_22 = tpu.memref_slice %arg4[%add3A_8] : memref<160000xi32, #tpu.memory_space<hbm>> -> memref<8xi32, #tpu.memory_space<hbm>>
      tpu.wait_dma2 semaphore(%run_scoped3A : memref<!tpu.dma_semaphore, #tpu.memory_space<semaphore_mem>>) src(%dma_wait3A_22 : memref<8xi32, #tpu.memory_space<hbm>>) dst(%arg12 : memref<8xi32, #tpu.memory_space<vmem>>)
      tpu.yield
    }) : () -> ()
    "tpu.region"() ({
      %run_scoped3A = tpu.sem_alloc : memref<!tpu.dma_semaphore, #tpu.memory_space<semaphore_mem>>
      %dma_start3A_19 = tpu.memref_slice %arg5[%add3A_8] : memref<160000xi32, #tpu.memory_space<hbm>> -> memref<8xi32, #tpu.memory_space<hbm>>
      %dma_start3A_20 = tpu.memref_slice %arg5[%add3A_8] : memref<160000xi32, #tpu.memory_space<hbm>> -> memref<8xi32, #tpu.memory_space<hbm>>
      tpu.enqueue_dma source(%dma_start3A_20 : memref<8xi32, #tpu.memory_space<hbm>>) target(%arg13 : memref<8xi32, #tpu.memory_space<vmem>>) target_semaphore(%run_scoped3A : memref<!tpu.dma_semaphore, #tpu.memory_space<semaphore_mem>>)
      %dma_wait3A_21 = tpu.memref_slice %arg5[%add3A_8] : memref<160000xi32, #tpu.memory_space<hbm>> -> memref<8xi32, #tpu.memory_space<hbm>>
      %dma_wait3A_22 = tpu.memref_slice %arg5[%add3A_8] : memref<160000xi32, #tpu.memory_space<hbm>> -> memref<8xi32, #tpu.memory_space<hbm>>
      tpu.wait_dma2 semaphore(%run_scoped3A : memref<!tpu.dma_semaphore, #tpu.memory_space<semaphore_mem>>) src(%dma_wait3A_22 : memref<8xi32, #tpu.memory_space<hbm>>) dst(%arg13 : memref<8xi32, #tpu.memory_space<vmem>>)
      tpu.yield
    }) : () -> ()
    %dma_start3A = arith.constant 0 : i32
    %dma_start3A_9 = arith.constant 0 : i32
    %dma_start3A_10 = tpu.memref_slice %arg2[%dma_start3A, %dma_start3A_9] : memref<10000x48xf32, #tpu.memory_space<hbm>> -> memref<10000x48xf32, #tpu.memory_space<hbm>>
    tpu.enqueue_indirect_dma source(%dma_start3A_10 : memref<10000x48xf32, #tpu.memory_space<hbm>>) target(%arg14 : memref<8x48xf32, #tpu.memory_space<vmem>>) offsets(%arg12 : memref<8xi32, #tpu.memory_space<vmem>>) semaphore(%arg16 : memref<!tpu.dma_semaphore, #tpu.memory_space<semaphore_mem>>)
    %dma_start3A_11 = arith.constant 0 : i32
    %dma_start3A_12 = arith.constant 0 : i32
    %dma_start3A_13 = tpu.memref_slice %arg3[%dma_start3A_11, %dma_start3A_12] : memref<10000x16xf32, #tpu.memory_space<hbm>> -> memref<10000x16xf32, #tpu.memory_space<hbm>>
    tpu.enqueue_indirect_dma source(%dma_start3A_13 : memref<10000x16xf32, #tpu.memory_space<hbm>>) target(%arg15 : memref<8x16xf32, #tpu.memory_space<vmem>>) offsets(%arg13 : memref<8xi32, #tpu.memory_space<vmem>>) semaphore(%arg16 : memref<!tpu.dma_semaphore, #tpu.memory_space<semaphore_mem>>)
    %dma_wait3A = arith.constant 0 : i32
    %dma_wait3A_14 = arith.constant 0 : i32
    %dma_wait3A_15 = tpu.memref_slice %arg2[%dma_wait3A, %dma_wait3A_14] : memref<10000x48xf32, #tpu.memory_space<hbm>> -> memref<10000x48xf32, #tpu.memory_space<hbm>>
    tpu.wait_indirect_dma semaphore(%arg16 : memref<!tpu.dma_semaphore, #tpu.memory_space<semaphore_mem>>) src(%dma_wait3A_15 : memref<10000x48xf32, #tpu.memory_space<hbm>>) dst(%arg14 : memref<8x48xf32, #tpu.memory_space<vmem>>)
    %dma_wait3A_16 = arith.constant 0 : i32
    %dma_wait3A_17 = arith.constant 0 : i32
    %dma_wait3A_18 = tpu.memref_slice %arg3[%dma_wait3A_16, %dma_wait3A_17] : memref<10000x16xf32, #tpu.memory_space<hbm>> -> memref<10000x16xf32, #tpu.memory_space<hbm>>
    tpu.wait_indirect_dma semaphore(%arg16 : memref<!tpu.dma_semaphore, #tpu.memory_space<semaphore_mem>>) src(%dma_wait3A_18 : memref<10000x16xf32, #tpu.memory_space<hbm>>) dst(%arg15 : memref<8x16xf32, #tpu.memory_space<vmem>>)
    "tpu.region"() ({
      %run_scoped3A = tpu.sem_alloc : memref<!tpu.dma_semaphore, #tpu.memory_space<semaphore_mem>>
      %dma_start3A_19 = arith.constant 0 : i32
      %dma_start3A_20 = tpu.memref_slice %arg6[%add3A_8, %dma_start3A_19] : memref<160000x48xf32, #tpu.memory_space<hbm>> -> memref<8x48xf32, #tpu.memory_space<hbm>>
      %dma_start3A_21 = arith.constant 0 : i32
      %dma_start3A_22 = tpu.memref_slice %arg6[%add3A_8, %dma_start3A_21] : memref<160000x48xf32, #tpu.memory_space<hbm>> -> memref<8x48xf32, #tpu.memory_space<hbm>>
      tpu.enqueue_dma source(%arg14 : memref<8x48xf32, #tpu.memory_space<vmem>>) target(%dma_start3A_22 : memref<8x48xf32, #tpu.memory_space<hbm>>) target_semaphore(%run_scoped3A : memref<!tpu.dma_semaphore, #tpu.memory_space<semaphore_mem>>)
      %dma_wait3A_23 = arith.constant 0 : i32
      %dma_wait3A_24 = tpu.memref_slice %arg6[%add3A_8, %dma_wait3A_23] : memref<160000x48xf32, #tpu.memory_space<hbm>> -> memref<8x48xf32, #tpu.memory_space<hbm>>
      %dma_wait3A_25 = arith.constant 0 : i32
      %dma_wait3A_26 = tpu.memref_slice %arg6[%add3A_8, %dma_wait3A_25] : memref<160000x48xf32, #tpu.memory_space<hbm>> -> memref<8x48xf32, #tpu.memory_space<hbm>>
      tpu.wait_dma2 semaphore(%run_scoped3A : memref<!tpu.dma_semaphore, #tpu.memory_space<semaphore_mem>>) src(%arg14 : memref<8x48xf32, #tpu.memory_space<vmem>>) dst(%dma_wait3A_26 : memref<8x48xf32, #tpu.memory_space<hbm>>)
      tpu.yield
    }) : () -> ()
    "tpu.region"() ({
      %run_scoped3A = tpu.sem_alloc : memref<!tpu.dma_semaphore, #tpu.memory_space<semaphore_mem>>
      %dma_start3A_19 = arith.constant 0 : i32
      %dma_start3A_20 = tpu.memref_slice %arg7[%add3A_8, %dma_start3A_19] : memref<160000x16xf32, #tpu.memory_space<hbm>> -> memref<8x16xf32, #tpu.memory_space<hbm>>
      %dma_start3A_21 = arith.constant 0 : i32
      %dma_start3A_22 = tpu.memref_slice %arg7[%add3A_8, %dma_start3A_21] : memref<160000x16xf32, #tpu.memory_space<hbm>> -> memref<8x16xf32, #tpu.memory_space<hbm>>
      tpu.enqueue_dma source(%arg15 : memref<8x16xf32, #tpu.memory_space<vmem>>) target(%dma_start3A_22 : memref<8x16xf32, #tpu.memory_space<hbm>>) target_semaphore(%run_scoped3A : memref<!tpu.dma_semaphore, #tpu.memory_space<semaphore_mem>>)
      %dma_wait3A_23 = arith.constant 0 : i32
      %dma_wait3A_24 = tpu.memref_slice %arg7[%add3A_8, %dma_wait3A_23] : memref<160000x16xf32, #tpu.memory_space<hbm>> -> memref<8x16xf32, #tpu.memory_space<hbm>>
      %dma_wait3A_25 = arith.constant 0 : i32
      %dma_wait3A_26 = tpu.memref_slice %arg7[%add3A_8, %dma_wait3A_25] : memref<160000x16xf32, #tpu.memory_space<hbm>> -> memref<8x16xf32, #tpu.memory_space<hbm>>
      tpu.wait_dma2 semaphore(%run_scoped3A : memref<!tpu.dma_semaphore, #tpu.memory_space<semaphore_mem>>) src(%arg15 : memref<8x16xf32, #tpu.memory_space<vmem>>) dst(%dma_wait3A_26 : memref<8x16xf32, #tpu.memory_space<hbm>>)
      tpu.yield
    }) : () -> ()
    return
  }
}

#map = affine_map<(d0, d1) -> (0, 0)>
#map1 = affine_map<(d0, d1) -> (0)>
#map2 = affine_map<(d0, d1) -> (0, 0, 0)>
module attributes {stable_mosaic.version = 14 : i64} {
  func.func @_scatter_body(%arg0: i32, %arg1: i32, %arg2: memref<160000x48xf32, #tpu.memory_space<hbm>>, %arg3: memref<160000xi32, #tpu.memory_space<hbm>>, %arg4: memref<640x48xf32, #tpu.memory_space<hbm>>, %arg5: memref<2x10240x48xf32, #tpu.memory_space<hbm>>, %arg6: memref<128xi32, #tpu.memory_space<vmem>>, %arg7: memref<128x48xf32, #tpu.memory_space<vmem>>, %arg8: memref<8xi32, #tpu.memory_space<vmem>>, %arg9: memref<8x48xf32, #tpu.memory_space<vmem>>, %arg10: memref<10240x48xf32, #tpu.memory_space<vmem_shared>>) attributes {dimension_semantics = [#tpu.dimension_semantics<core_parallel>, #tpu.dimension_semantics<subcore_parallel>], iteration_bounds = array<i64: 2, 16>, scalar_prefetch = 0 : i64, scratch_operands = 5 : i64, tpu.core_type = #tpu.core_type<sc_vector_subcore>, window_params = [{transform_indices = #map}, {transform_indices = #map1}, {transform_indices = #map}, {transform_indices = #map2}]} {
    %mul3A = arith.constant 2 : i32
    %mul3A_0 = arith.muli %arg1, %mul3A : i32
    %add3A = arith.addi %mul3A_0, %arg0 : i32
    %mul3A_1 = arith.constant 5000 : i32
    %mul3A_2 = arith.muli %add3A, %mul3A_1 : i32
    %mul3A_3 = arith.constant 640 : i32
    %mul3A_4 = arith.muli %arg1, %mul3A_3 : i32
    "tpu.region"() ({
      %run_scoped3A = tpu.sem_alloc : memref<!tpu.dma_semaphore, #tpu.memory_space<semaphore_mem>>
      %dma_start3A = arith.constant 0 : i32
      %dma_start3A_16 = tpu.memref_slice %arg10[%mul3A_4, %dma_start3A] : memref<10240x48xf32, #tpu.memory_space<vmem_shared>> -> memref<640x48xf32, #tpu.memory_space<vmem_shared>>
      tpu.enqueue_dma source(%arg4 : memref<640x48xf32, #tpu.memory_space<hbm>>) target(%dma_start3A_16 : memref<640x48xf32, #tpu.memory_space<vmem_shared>>) target_semaphore(%run_scoped3A : memref<!tpu.dma_semaphore, #tpu.memory_space<semaphore_mem>>)
      %dma_wait3A = arith.constant 0 : i32
      %dma_wait3A_17 = tpu.memref_slice %arg10[%mul3A_4, %dma_wait3A] : memref<10240x48xf32, #tpu.memory_space<vmem_shared>> -> memref<640x48xf32, #tpu.memory_space<vmem_shared>>
      tpu.wait_dma2 semaphore(%run_scoped3A : memref<!tpu.dma_semaphore, #tpu.memory_space<semaphore_mem>>) src(%arg4 : memref<640x48xf32, #tpu.memory_space<hbm>>) dst(%dma_wait3A_17 : memref<640x48xf32, #tpu.memory_space<vmem_shared>>)
      tpu.yield
    }) : () -> ()
    %barrier3A = arith.constant 0 : index
    tpu.barrier barrier_id(%barrier3A)
    %scan3A = arith.constant 0 : i32
    %scan3A_5 = arith.constant 39 : i32
    %scan3A_6 = arith.addi %scan3A, %scan3A_5 : i32
    %scan3A_7 = arith.constant 1 : i32
    scf.for %scan3A_16 = %scan3A to %scan3A_6 step %scan3A_7  : i32 {
      %mul3A_17 = arith.constant 128 : i32
      %mul3A_18 = arith.muli %scan3A_16, %mul3A_17 : i32
      %add3A_19 = arith.addi %mul3A_2, %mul3A_18 : i32
      "tpu.region"() ({
        %run_scoped3A = tpu.sem_alloc : memref<!tpu.dma_semaphore, #tpu.memory_space<semaphore_mem>>
        %dma_start3A = tpu.memref_slice %arg3[%add3A_19] : memref<160000xi32, #tpu.memory_space<hbm>> -> memref<128xi32, #tpu.memory_space<hbm>>
        %dma_start3A_20 = tpu.memref_slice %arg3[%add3A_19] : memref<160000xi32, #tpu.memory_space<hbm>> -> memref<128xi32, #tpu.memory_space<hbm>>
        tpu.enqueue_dma source(%dma_start3A_20 : memref<128xi32, #tpu.memory_space<hbm>>) target(%arg6 : memref<128xi32, #tpu.memory_space<vmem>>) target_semaphore(%run_scoped3A : memref<!tpu.dma_semaphore, #tpu.memory_space<semaphore_mem>>)
        %dma_wait3A = tpu.memref_slice %arg3[%add3A_19] : memref<160000xi32, #tpu.memory_space<hbm>> -> memref<128xi32, #tpu.memory_space<hbm>>
        %dma_wait3A_21 = tpu.memref_slice %arg3[%add3A_19] : memref<160000xi32, #tpu.memory_space<hbm>> -> memref<128xi32, #tpu.memory_space<hbm>>
        tpu.wait_dma2 semaphore(%run_scoped3A : memref<!tpu.dma_semaphore, #tpu.memory_space<semaphore_mem>>) src(%dma_wait3A_21 : memref<128xi32, #tpu.memory_space<hbm>>) dst(%arg6 : memref<128xi32, #tpu.memory_space<vmem>>)
        tpu.yield
      }) : () -> ()
      "tpu.region"() ({
        %run_scoped3A = tpu.sem_alloc : memref<!tpu.dma_semaphore, #tpu.memory_space<semaphore_mem>>
        %dma_start3A = arith.constant 0 : i32
        %dma_start3A_20 = tpu.memref_slice %arg2[%add3A_19, %dma_start3A] : memref<160000x48xf32, #tpu.memory_space<hbm>> -> memref<128x48xf32, #tpu.memory_space<hbm>>
        %dma_start3A_21 = arith.constant 0 : i32
        %dma_start3A_22 = tpu.memref_slice %arg2[%add3A_19, %dma_start3A_21] : memref<160000x48xf32, #tpu.memory_space<hbm>> -> memref<128x48xf32, #tpu.memory_space<hbm>>
        tpu.enqueue_dma source(%dma_start3A_22 : memref<128x48xf32, #tpu.memory_space<hbm>>) target(%arg7 : memref<128x48xf32, #tpu.memory_space<vmem>>) target_semaphore(%run_scoped3A : memref<!tpu.dma_semaphore, #tpu.memory_space<semaphore_mem>>)
        %dma_wait3A = arith.constant 0 : i32
        %dma_wait3A_23 = tpu.memref_slice %arg2[%add3A_19, %dma_wait3A] : memref<160000x48xf32, #tpu.memory_space<hbm>> -> memref<128x48xf32, #tpu.memory_space<hbm>>
        %dma_wait3A_24 = arith.constant 0 : i32
        %dma_wait3A_25 = tpu.memref_slice %arg2[%add3A_19, %dma_wait3A_24] : memref<160000x48xf32, #tpu.memory_space<hbm>> -> memref<128x48xf32, #tpu.memory_space<hbm>>
        tpu.wait_dma2 semaphore(%run_scoped3A : memref<!tpu.dma_semaphore, #tpu.memory_space<semaphore_mem>>) src(%dma_wait3A_25 : memref<128x48xf32, #tpu.memory_space<hbm>>) dst(%arg7 : memref<128x48xf32, #tpu.memory_space<vmem>>)
        tpu.yield
      }) : () -> ()
      "tpu.region"() ({
        %run_scoped3A = tpu.sem_alloc : memref<!tpu.dma_semaphore, #tpu.memory_space<semaphore_mem>>
        %dma_start3A = arith.constant 0 : i32
        %dma_start3A_20 = arith.constant 0 : i32
        %dma_start3A_21 = tpu.memref_slice %arg10[%dma_start3A, %dma_start3A_20] : memref<10240x48xf32, #tpu.memory_space<vmem_shared>> -> memref<10240x48xf32, #tpu.memory_space<vmem_shared>>
        tpu.enqueue_indirect_dma source(%arg7 : memref<128x48xf32, #tpu.memory_space<vmem>>) target(%dma_start3A_21 : memref<10240x48xf32, #tpu.memory_space<vmem_shared>>) offsets(%arg6 : memref<128xi32, #tpu.memory_space<vmem>>) semaphore(%run_scoped3A : memref<!tpu.dma_semaphore, #tpu.memory_space<semaphore_mem>>) {add = true}
        %dma_wait3A = arith.constant 0 : i32
        %dma_wait3A_22 = arith.constant 0 : i32
        %dma_wait3A_23 = tpu.memref_slice %arg10[%dma_wait3A, %dma_wait3A_22] : memref<10240x48xf32, #tpu.memory_space<vmem_shared>> -> memref<10240x48xf32, #tpu.memory_space<vmem_shared>>
        tpu.wait_indirect_dma semaphore(%run_scoped3A : memref<!tpu.dma_semaphore, #tpu.memory_space<semaphore_mem>>) src(%arg7 : memref<128x48xf32, #tpu.memory_space<vmem>>) dst(%dma_wait3A_23 : memref<10240x48xf32, #tpu.memory_space<vmem_shared>>)
        tpu.yield
      }) : () -> ()
    }
    %scan3A_8 = arith.constant 39 : i32
    %add3A_9 = arith.constant 4992 : i32
    %add3A_10 = arith.addi %mul3A_2, %add3A_9 : i32
    "tpu.region"() ({
      %run_scoped3A = tpu.sem_alloc : memref<!tpu.dma_semaphore, #tpu.memory_space<semaphore_mem>>
      %dma_start3A = tpu.memref_slice %arg3[%add3A_10] : memref<160000xi32, #tpu.memory_space<hbm>> -> memref<8xi32, #tpu.memory_space<hbm>>
      %dma_start3A_16 = tpu.memref_slice %arg3[%add3A_10] : memref<160000xi32, #tpu.memory_space<hbm>> -> memref<8xi32, #tpu.memory_space<hbm>>
      tpu.enqueue_dma source(%dma_start3A_16 : memref<8xi32, #tpu.memory_space<hbm>>) target(%arg8 : memref<8xi32, #tpu.memory_space<vmem>>) target_semaphore(%run_scoped3A : memref<!tpu.dma_semaphore, #tpu.memory_space<semaphore_mem>>)
      %dma_wait3A = tpu.memref_slice %arg3[%add3A_10] : memref<160000xi32, #tpu.memory_space<hbm>> -> memref<8xi32, #tpu.memory_space<hbm>>
      %dma_wait3A_17 = tpu.memref_slice %arg3[%add3A_10] : memref<160000xi32, #tpu.memory_space<hbm>> -> memref<8xi32, #tpu.memory_space<hbm>>
      tpu.wait_dma2 semaphore(%run_scoped3A : memref<!tpu.dma_semaphore, #tpu.memory_space<semaphore_mem>>) src(%dma_wait3A_17 : memref<8xi32, #tpu.memory_space<hbm>>) dst(%arg8 : memref<8xi32, #tpu.memory_space<vmem>>)
      tpu.yield
    }) : () -> ()
    "tpu.region"() ({
      %run_scoped3A = tpu.sem_alloc : memref<!tpu.dma_semaphore, #tpu.memory_space<semaphore_mem>>
      %dma_start3A = arith.constant 0 : i32
      %dma_start3A_16 = tpu.memref_slice %arg2[%add3A_10, %dma_start3A] : memref<160000x48xf32, #tpu.memory_space<hbm>> -> memref<8x48xf32, #tpu.memory_space<hbm>>
      %dma_start3A_17 = arith.constant 0 : i32
      %dma_start3A_18 = tpu.memref_slice %arg2[%add3A_10, %dma_start3A_17] : memref<160000x48xf32, #tpu.memory_space<hbm>> -> memref<8x48xf32, #tpu.memory_space<hbm>>
      tpu.enqueue_dma source(%dma_start3A_18 : memref<8x48xf32, #tpu.memory_space<hbm>>) target(%arg9 : memref<8x48xf32, #tpu.memory_space<vmem>>) target_semaphore(%run_scoped3A : memref<!tpu.dma_semaphore, #tpu.memory_space<semaphore_mem>>)
      %dma_wait3A = arith.constant 0 : i32
      %dma_wait3A_19 = tpu.memref_slice %arg2[%add3A_10, %dma_wait3A] : memref<160000x48xf32, #tpu.memory_space<hbm>> -> memref<8x48xf32, #tpu.memory_space<hbm>>
      %dma_wait3A_20 = arith.constant 0 : i32
      %dma_wait3A_21 = tpu.memref_slice %arg2[%add3A_10, %dma_wait3A_20] : memref<160000x48xf32, #tpu.memory_space<hbm>> -> memref<8x48xf32, #tpu.memory_space<hbm>>
      tpu.wait_dma2 semaphore(%run_scoped3A : memref<!tpu.dma_semaphore, #tpu.memory_space<semaphore_mem>>) src(%dma_wait3A_21 : memref<8x48xf32, #tpu.memory_space<hbm>>) dst(%arg9 : memref<8x48xf32, #tpu.memory_space<vmem>>)
      tpu.yield
    }) : () -> ()
    "tpu.region"() ({
      %run_scoped3A = tpu.sem_alloc : memref<!tpu.dma_semaphore, #tpu.memory_space<semaphore_mem>>
      %dma_start3A = arith.constant 0 : i32
      %dma_start3A_16 = arith.constant 0 : i32
      %dma_start3A_17 = tpu.memref_slice %arg10[%dma_start3A, %dma_start3A_16] : memref<10240x48xf32, #tpu.memory_space<vmem_shared>> -> memref<10240x48xf32, #tpu.memory_space<vmem_shared>>
      tpu.enqueue_indirect_dma source(%arg9 : memref<8x48xf32, #tpu.memory_space<vmem>>) target(%dma_start3A_17 : memref<10240x48xf32, #tpu.memory_space<vmem_shared>>) offsets(%arg8 : memref<8xi32, #tpu.memory_space<vmem>>) semaphore(%run_scoped3A : memref<!tpu.dma_semaphore, #tpu.memory_space<semaphore_mem>>) {add = true}
      %dma_wait3A = arith.constant 0 : i32
      %dma_wait3A_18 = arith.constant 0 : i32
      %dma_wait3A_19 = tpu.memref_slice %arg10[%dma_wait3A, %dma_wait3A_18] : memref<10240x48xf32, #tpu.memory_space<vmem_shared>> -> memref<10240x48xf32, #tpu.memory_space<vmem_shared>>
      tpu.wait_indirect_dma semaphore(%run_scoped3A : memref<!tpu.dma_semaphore, #tpu.memory_space<semaphore_mem>>) src(%arg9 : memref<8x48xf32, #tpu.memory_space<vmem>>) dst(%dma_wait3A_19 : memref<10240x48xf32, #tpu.memory_space<vmem_shared>>)
      tpu.yield
    }) : () -> ()
    %barrier3A_11 = arith.constant 0 : index
    tpu.barrier barrier_id(%barrier3A_11)
    %mul3A_12 = arith.constant 640 : i32
    %mul3A_13 = arith.muli %arg1, %mul3A_12 : i32
    %mul3A_14 = arith.constant 640 : i32
    %mul3A_15 = arith.muli %arg1, %mul3A_14 : i32
    "tpu.region"() ({
      %run_scoped3A = tpu.sem_alloc : memref<!tpu.dma_semaphore, #tpu.memory_space<semaphore_mem>>
      %dma_start3A = arith.constant 0 : i32
      %dma_start3A_16 = tpu.memref_slice %arg5[%arg0, %mul3A_15, %dma_start3A] : memref<2x10240x48xf32, #tpu.memory_space<hbm>> -> memref<1x640x48xf32, #tpu.memory_space<hbm>>
      %dma_start3A_17 = tpu.memref_squeeze %dma_start3A_16 : memref<1x640x48xf32, #tpu.memory_space<hbm>> -> memref<640x48xf32, #tpu.memory_space<hbm>>
      %dma_start3A_18 = arith.constant 0 : i32
      %dma_start3A_19 = tpu.memref_slice %arg10[%mul3A_13, %dma_start3A_18] : memref<10240x48xf32, #tpu.memory_space<vmem_shared>> -> memref<640x48xf32, #tpu.memory_space<vmem_shared>>
      tpu.enqueue_dma source(%dma_start3A_19 : memref<640x48xf32, #tpu.memory_space<vmem_shared>>) target(%dma_start3A_17 : memref<640x48xf32, #tpu.memory_space<hbm>>) target_semaphore(%run_scoped3A : memref<!tpu.dma_semaphore, #tpu.memory_space<semaphore_mem>>)
      %dma_wait3A = arith.constant 0 : i32
      %dma_wait3A_20 = tpu.memref_slice %arg5[%arg0, %mul3A_15, %dma_wait3A] : memref<2x10240x48xf32, #tpu.memory_space<hbm>> -> memref<1x640x48xf32, #tpu.memory_space<hbm>>
      %dma_wait3A_21 = tpu.memref_squeeze %dma_wait3A_20 : memref<1x640x48xf32, #tpu.memory_space<hbm>> -> memref<640x48xf32, #tpu.memory_space<hbm>>
      %dma_wait3A_22 = arith.constant 0 : i32
      %dma_wait3A_23 = tpu.memref_slice %arg10[%mul3A_13, %dma_wait3A_22] : memref<10240x48xf32, #tpu.memory_space<vmem_shared>> -> memref<640x48xf32, #tpu.memory_space<vmem_shared>>
      tpu.wait_dma2 semaphore(%run_scoped3A : memref<!tpu.dma_semaphore, #tpu.memory_space<semaphore_mem>>) src(%dma_wait3A_23 : memref<640x48xf32, #tpu.memory_space<vmem_shared>>) dst(%dma_wait3A_21 : memref<640x48xf32, #tpu.memory_space<hbm>>)
      tpu.yield
    }) : () -> ()
    return
  }
}

module attributes {stable_mosaic.version = 14 : i64} {
  func.func @_node_body(%arg0: i32, %arg1: memref<1000x1xi32, #tpu.memory_space<vmem>>, %arg2: memref<1000x1xi32, #tpu.memory_space<vmem>>, %arg3: memref<1000x3xf32, #tpu.memory_space<vmem>>, %arg4: memref<100x16xf32, #tpu.memory_space<vmem>>, %arg5: memref<2x16xf32, #tpu.memory_space<vmem>>, %arg6: memref<32x8xf32, #tpu.memory_space<vmem>>, %arg7: memref<8x8xf32, #tpu.memory_space<vmem>>, %arg8: memref<1000x48xf32, #tpu.memory_space<vmem>>, %arg9: memref<1000x16xf32, #tpu.memory_space<vmem>>) attributes {dimension_semantics = [#tpu.dimension_semantics<arbitrary>], iteration_bounds = array<i64: 10>, scalar_prefetch = 0 : i64, scratch_operands = 0 : i64, tpu.core_type = #tpu.core_type<tc>, window_params = [{transform_indices = @transform_0, window_bounds = array<i64: 1000, 1>}, {transform_indices = @transform_1, window_bounds = array<i64: 1000, 1>}, {transform_indices = @transform_2, window_bounds = array<i64: 1000, 3>}, {pipeline_mode = #tpu.pipeline_mode<synchronous>, transform_indices = @transform_3, window_bounds = array<i64: 100, 16>}, {pipeline_mode = #tpu.pipeline_mode<synchronous>, transform_indices = @transform_4, window_bounds = array<i64: 2, 16>}, {pipeline_mode = #tpu.pipeline_mode<synchronous>, transform_indices = @transform_5, window_bounds = array<i64: 32, 8>}, {pipeline_mode = #tpu.pipeline_mode<synchronous>, transform_indices = @transform_6, window_bounds = array<i64: 8, 8>}, {transform_indices = @transform_7, window_bounds = array<i64: 1000, 48>}, {transform_indices = @transform_8, window_bounds = array<i64: 1000, 16>}]} {
    %get3A = arith.constant 0 : index
    %get3A_0 = arith.constant 0 : index
    %get3A_1 = vector.load %arg1[%get3A, %get3A_0] : memref<1000x1xi32, #tpu.memory_space<vmem>>, vector<1000x1xi32>
    %iota3A = tpu.iota {dimensions = array<i32: 1>} : vector<1000x100xi32>
    %eq3A = vector.broadcast %get3A_1 : vector<1000x1xi32> to vector<1000x100xi32>
    %eq3A_2 = arith.cmpi eq, %eq3A, %iota3A : vector<1000x100xi32>
    %convert_element_type3A = arith.extui %eq3A_2 : vector<1000x100xi1> to vector<1000x100xi32>
    %convert_element_type3A_3 = arith.sitofp %convert_element_type3A : vector<1000x100xi32> to vector<1000x100xf32>
    %get3A_4 = arith.constant 0 : index
    %get3A_5 = arith.constant 0 : index
    %get3A_6 = vector.load %arg4[%get3A_4, %get3A_5] : memref<100x16xf32, #tpu.memory_space<vmem>>, vector<100x16xf32>
    %dot_general3A = arith.constant dense<0.000000e+00> : vector<1000x16xf32>
    %dot_general3A_7 = tpu.matmul %convert_element_type3A_3, %get3A_6, %dot_general3A {dimension_numbers = #tpu.dot_dimension_numbers<[1], [0], [0], [1], [0, 0, 1, 1], [], []>, transpose_lhs_hint = false} : vector<1000x100xf32>, vector<100x16xf32>, vector<1000x16xf32> -> vector<1000x16xf32>
    %get3A_8 = arith.constant 0 : index
    %get3A_9 = arith.constant 0 : index
    %get3A_10 = vector.load %arg2[%get3A_8, %get3A_9] : memref<1000x1xi32, #tpu.memory_space<vmem>>, vector<1000x1xi32>
    %eq3A_11 = arith.constant 0 : i32
    %eq3A_12 = vector.broadcast %eq3A_11 : i32 to vector<1000x1xi32>
    %eq3A_13 = arith.cmpi eq, %get3A_10, %eq3A_12 : vector<1000x1xi32>
    %get3A_14 = arith.constant 0 : index
    %get3A_15 = arith.constant 0 : index
    %get3A_16 = vector.load %arg5[%get3A_14, %get3A_15] : memref<2x16xf32, #tpu.memory_space<vmem>>, vector<1x16xf32>
    %get3A_17 = arith.constant 1 : index
    %get3A_18 = arith.constant 0 : index
    %get3A_19 = vector.load %arg5[%get3A_17, %get3A_18] : memref<2x16xf32, #tpu.memory_space<vmem>>, vector<1x16xf32>
    %broadcast_in_dim3A = vector.shape_cast %eq3A_13 : vector<1000x1xi1> to vector<1000x1xi1>
    %broadcast_in_dim3A_20 = vector.broadcast %broadcast_in_dim3A : vector<1000x1xi1> to vector<1000x16xi1>
    %broadcast_in_dim3A_21 = vector.shape_cast %get3A_16 : vector<1x16xf32> to vector<1x16xf32>
    %broadcast_in_dim3A_22 = vector.broadcast %broadcast_in_dim3A_21 : vector<1x16xf32> to vector<1000x16xf32>
    %broadcast_in_dim3A_23 = vector.shape_cast %get3A_19 : vector<1x16xf32> to vector<1x16xf32>
    %broadcast_in_dim3A_24 = vector.broadcast %broadcast_in_dim3A_23 : vector<1x16xf32> to vector<1000x16xf32>
    %select_n3A = arith.select %broadcast_in_dim3A_20, %broadcast_in_dim3A_22, %broadcast_in_dim3A_24 : vector<1000x16xi1>, vector<1000x16xf32>
    %get3A_25 = arith.constant 0 : index
    %get3A_26 = arith.constant 0 : index
    %get3A_27 = vector.load %arg3[%get3A_25, %get3A_26] : memref<1000x3xf32, #tpu.memory_space<vmem>>, vector<1000x3xf32>
    %swap3A = arith.constant 0 : index
    %swap3A_28 = arith.constant 0 : index
    %swap3A_29 = vector.load %arg8[%swap3A, %swap3A_28] : memref<1000x48xf32, #tpu.memory_space<vmem>>, vector<1000x16xf32>
    tpu.vector_store %arg8[%swap3A, %swap3A_28], %dot_general3A_7 {strides = array<i32>} : memref<1000x48xf32, #tpu.memory_space<vmem>>, vector<1000x16xf32>,
    %swap3A_30 = arith.constant 0 : index
    %swap3A_31 = arith.constant 16 : index
    %swap3A_32 = vector.load %arg8[%swap3A_30, %swap3A_31] : memref<1000x48xf32, #tpu.memory_space<vmem>>, vector<1000x16xf32>
    tpu.vector_store %arg8[%swap3A_30, %swap3A_31], %select_n3A {strides = array<i32>} : memref<1000x48xf32, #tpu.memory_space<vmem>>, vector<1000x16xf32>,
    %swap3A_33 = arith.constant 0 : index
    %swap3A_34 = arith.constant 32 : index
    %swap3A_35 = vector.load %arg8[%swap3A_33, %swap3A_34] : memref<1000x48xf32, #tpu.memory_space<vmem>>, vector<1000x3xf32>
    tpu.vector_store %arg8[%swap3A_33, %swap3A_34], %get3A_27 {strides = array<i32>} : memref<1000x48xf32, #tpu.memory_space<vmem>>, vector<1000x3xf32>,
    %broadcast_in_dim3A_36 = arith.constant 0.000000e+00 : f32
    %broadcast_in_dim3A_37 = vector.broadcast %broadcast_in_dim3A_36 : f32 to vector<1000x13xf32>
    %swap3A_38 = arith.constant 0 : index
    %swap3A_39 = arith.constant 35 : index
    %swap3A_40 = vector.load %arg8[%swap3A_38, %swap3A_39] : memref<1000x48xf32, #tpu.memory_space<vmem>>, vector<1000x13xf32>
    tpu.vector_store %arg8[%swap3A_38, %swap3A_39], %broadcast_in_dim3A_37 {strides = array<i32>} : memref<1000x48xf32, #tpu.memory_space<vmem>>, vector<1000x13xf32>,
    %get3A_41 = arith.constant 0 : index
    %get3A_42 = arith.constant 0 : index
    %get3A_43 = vector.load %arg6[%get3A_41, %get3A_42] : memref<32x8xf32, #tpu.memory_space<vmem>>, vector<16x8xf32>
    %dot_general3A_44 = arith.constant dense<0.000000e+00> : vector<1000x8xf32>
    %dot_general3A_45 = tpu.matmul %dot_general3A_7, %get3A_43, %dot_general3A_44 {dimension_numbers = #tpu.dot_dimension_numbers<[1], [0], [0], [1], [0, 0, 1, 1], [], []>, transpose_lhs_hint = false} : vector<1000x16xf32>, vector<16x8xf32>, vector<1000x8xf32> -> vector<1000x8xf32>
    %get3A_46 = arith.constant 16 : index
    %get3A_47 = arith.constant 0 : index
    %get3A_48 = vector.load %arg6[%get3A_46, %get3A_47] : memref<32x8xf32, #tpu.memory_space<vmem>>, vector<16x8xf32>
    %dot_general3A_49 = arith.constant dense<0.000000e+00> : vector<1000x8xf32>
    %dot_general3A_50 = tpu.matmul %select_n3A, %get3A_48, %dot_general3A_49 {dimension_numbers = #tpu.dot_dimension_numbers<[1], [0], [0], [1], [0, 0, 1, 1], [], []>, transpose_lhs_hint = false} : vector<1000x16xf32>, vector<16x8xf32>, vector<1000x8xf32> -> vector<1000x8xf32>
    %add3A = arith.addf %dot_general3A_45, %dot_general3A_50 : vector<1000x8xf32>
    %mul3A = arith.constant 0.176776692 : f32
    %mul3A_51 = vector.broadcast %mul3A : f32 to vector<1000x8xf32>
    %mul3A_52 = arith.mulf %add3A, %mul3A_51 : vector<1000x8xf32>
    %get3A_53 = arith.constant 0 : index
    %get3A_54 = arith.constant 0 : index
    %get3A_55 = vector.load %arg7[%get3A_53, %get3A_54] : memref<8x8xf32, #tpu.memory_space<vmem>>, vector<8x8xf32>
    %dot_general3A_56 = arith.constant dense<0.000000e+00> : vector<1000x8xf32>
    %dot_general3A_57 = tpu.matmul %mul3A_52, %get3A_55, %dot_general3A_56 {dimension_numbers = #tpu.dot_dimension_numbers<[1], [0], [0], [1], [0, 0, 1, 1], [], []>, transpose_lhs_hint = false} : vector<1000x8xf32>, vector<8x8xf32>, vector<1000x8xf32> -> vector<1000x8xf32>
    %swap3A_58 = arith.constant 0 : index
    %swap3A_59 = arith.constant 0 : index
    %swap3A_60 = vector.load %arg9[%swap3A_58, %swap3A_59] : memref<1000x16xf32, #tpu.memory_space<vmem>>, vector<1000x8xf32>
    tpu.vector_store %arg9[%swap3A_58, %swap3A_59], %dot_general3A_57 {strides = array<i32>} : memref<1000x16xf32, #tpu.memory_space<vmem>>, vector<1000x8xf32>,
    %swap3A_61 = arith.constant 0 : index
    %swap3A_62 = arith.constant 8 : index
    %swap3A_63 = vector.load %arg9[%swap3A_61, %swap3A_62] : memref<1000x16xf32, #tpu.memory_space<vmem>>, vector<1000x3xf32>
    tpu.vector_store %arg9[%swap3A_61, %swap3A_62], %get3A_27 {strides = array<i32>} : memref<1000x16xf32, #tpu.memory_space<vmem>>, vector<1000x3xf32>,
    %broadcast_in_dim3A_64 = arith.constant 0.000000e+00 : f32
    %broadcast_in_dim3A_65 = vector.broadcast %broadcast_in_dim3A_64 : f32 to vector<1000x5xf32>
    %swap3A_66 = arith.constant 0 : index
    %swap3A_67 = arith.constant 11 : index
    %swap3A_68 = vector.load %arg9[%swap3A_66, %swap3A_67] : memref<1000x16xf32, #tpu.memory_space<vmem>>, vector<1000x5xf32>
    tpu.vector_store %arg9[%swap3A_66, %swap3A_67], %broadcast_in_dim3A_65 {strides = array<i32>} : memref<1000x16xf32, #tpu.memory_space<vmem>>, vector<1000x5xf32>,
    return
  }
  func.func @transform_0(%arg0: i32) -> (i32, i32) {
    %c0_i32 = arith.constant 0 : i32
    %c0_i32_0 = arith.constant 0 : i32
    return %arg0, %c0_i32 : i32, i32
  }
  func.func @transform_1(%arg0: i32) -> (i32, i32) {
    %c0_i32 = arith.constant 0 : i32
    %c0_i32_0 = arith.constant 0 : i32
    return %arg0, %c0_i32 : i32, i32
  }
  func.func @transform_2(%arg0: i32) -> (i32, i32) {
    %c0_i32 = arith.constant 0 : i32
    %c0_i32_0 = arith.constant 0 : i32
    return %arg0, %c0_i32 : i32, i32
  }
  func.func @transform_3(%arg0: i32) -> (i32, i32) {
    %c0_i32 = arith.constant 0 : i32
    %c0_i32_0 = arith.constant 0 : i32
    %c0_i32_1 = arith.constant 0 : i32
    return %c0_i32, %c0_i32_0 : i32, i32
  }
  func.func @transform_4(%arg0: i32) -> (i32, i32) {
    %c0_i32 = arith.constant 0 : i32
    %c0_i32_0 = arith.constant 0 : i32
    %c0_i32_1 = arith.constant 0 : i32
    return %c0_i32, %c0_i32_0 : i32, i32
  }
  func.func @transform_5(%arg0: i32) -> (i32, i32) {
    %c0_i32 = arith.constant 0 : i32
    %c0_i32_0 = arith.constant 0 : i32
    %c0_i32_1 = arith.constant 0 : i32
    return %c0_i32, %c0_i32_0 : i32, i32
  }
  func.func @transform_6(%arg0: i32) -> (i32, i32) {
    %c0_i32 = arith.constant 0 : i32
    %c0_i32_0 = arith.constant 0 : i32
    %c0_i32_1 = arith.constant 0 : i32
    return %c0_i32, %c0_i32_0 : i32, i32
  }
  func.func @transform_7(%arg0: i32) -> (i32, i32) {
    %c0_i32 = arith.constant 0 : i32
    %c0_i32_0 = arith.constant 0 : i32
    return %arg0, %c0_i32 : i32, i32
  }
  func.func @transform_8(%arg0: i32) -> (i32, i32) {
    %c0_i32 = arith.constant 0 : i32
    %c0_i32_0 = arith.constant 0 : i32
    return %arg0, %c0_i32 : i32, i32
  }
}

module attributes {stable_mosaic.version = 14 : i64} {
  func.func @_edge_body(%arg0: i32, %arg1: memref<640x48xf32, #tpu.memory_space<vmem>>, %arg2: memref<640x16xf32, #tpu.memory_space<vmem>>, %arg3: memref<10x32xf32, #tpu.memory_space<vmem>>, %arg4: memref<32x256xf32, #tpu.memory_space<vmem>>, %arg5: memref<10x32xf32, #tpu.memory_space<vmem>>, %arg6: memref<32x768xf32, #tpu.memory_space<vmem>>, %arg7: memref<640x48xf32, #tpu.memory_space<vmem>>) attributes {dimension_semantics = [#tpu.dimension_semantics<arbitrary>], iteration_bounds = array<i64: 250>, scalar_prefetch = 0 : i64, scratch_operands = 0 : i64, tpu.core_type = #tpu.core_type<tc>, window_params = [{transform_indices = @transform_0, window_bounds = array<i64: 640, 48>}, {transform_indices = @transform_1, window_bounds = array<i64: 640, 16>}, {pipeline_mode = #tpu.pipeline_mode<synchronous>, transform_indices = @transform_2, window_bounds = array<i64: 10, 32>}, {pipeline_mode = #tpu.pipeline_mode<synchronous>, transform_indices = @transform_3, window_bounds = array<i64: 32, 256>}, {pipeline_mode = #tpu.pipeline_mode<synchronous>, transform_indices = @transform_4, window_bounds = array<i64: 10, 32>}, {pipeline_mode = #tpu.pipeline_mode<synchronous>, transform_indices = @transform_5, window_bounds = array<i64: 32, 768>}, {transform_indices = @transform_6, window_bounds = array<i64: 640, 48>}]} {
    %get3A = arith.constant 0 : index
    %get3A_0 = arith.constant 0 : index
    %get3A_1 = vector.load %arg1[%get3A, %get3A_0] : memref<640x48xf32, #tpu.memory_space<vmem>>, vector<640x32xf32>
    %get3A_2 = arith.constant 0 : index
    %get3A_3 = arith.constant 0 : index
    %get3A_4 = vector.load %arg2[%get3A_2, %get3A_3] : memref<640x16xf32, #tpu.memory_space<vmem>>, vector<640x8xf32>
    %get3A_5 = arith.constant 0 : index
    %get3A_6 = arith.constant 32 : index
    %get3A_7 = vector.load %arg1[%get3A_5, %get3A_6] : memref<640x48xf32, #tpu.memory_space<vmem>>, vector<640x3xf32>
    %get3A_8 = arith.constant 0 : index
    %get3A_9 = arith.constant 8 : index
    %get3A_10 = vector.load %arg2[%get3A_8, %get3A_9] : memref<640x16xf32, #tpu.memory_space<vmem>>, vector<640x3xf32>
    %sub3A = arith.subf %get3A_7, %get3A_10 : vector<640x3xf32>
    %mul3A = arith.mulf %sub3A, %sub3A : vector<640x3xf32>
    %reduce_sum3A = arith.constant dense<0.000000e+00> : vector<640xf32>
    %reduce_sum3A_11 = vector.multi_reduction <add>, %mul3A, %reduce_sum3A [1] : vector<640x3xf32> to vector<640xf32>
    %broadcast_in_dim3A = vector.shape_cast %reduce_sum3A_11 : vector<640xf32> to vector<640x1xf32>
    %add3A = arith.constant 9.99999996E-13 : f32
    %add3A_12 = vector.broadcast %add3A : f32 to vector<640x1xf32>
    %add3A_13 = arith.addf %broadcast_in_dim3A, %add3A_12 : vector<640x1xf32>
    %sqrt3A = math.sqrt %add3A_13 : vector<640x1xf32>
    %iota3A = tpu.iota {dimensions = array<i32: 1>} : vector<640x10xi32>
    %convert_element_type3A = arith.sitofp %iota3A : vector<640x10xi32> to vector<640x10xf32>
    %add3A_14 = arith.constant 1.000000e+00 : f32
    %add3A_15 = vector.broadcast %add3A_14 : f32 to vector<640x10xf32>
    %add3A_16 = arith.addf %convert_element_type3A, %add3A_15 : vector<640x10xf32>
    %mul3A_17 = arith.constant 0.545454562 : f32
    %mul3A_18 = vector.broadcast %mul3A_17 : f32 to vector<640x10xf32>
    %mul3A_19 = arith.mulf %mul3A_18, %add3A_16 : vector<640x10xf32>
    %sub3A_20 = vector.broadcast %sqrt3A : vector<640x1xf32> to vector<640x10xf32>
    %sub3A_21 = arith.subf %sub3A_20, %mul3A_19 : vector<640x10xf32>
    %div3A = arith.constant 0.545454562 : f32
    %div3A_22 = vector.broadcast %div3A : f32 to vector<640x10xf32>
    %div3A_23 = arith.divf %sub3A_21, %div3A_22 : vector<640x10xf32>
    %mul3A_24 = arith.mulf %div3A_23, %div3A_23 : vector<640x10xf32>
    %min3A = arith.constant 0.999998986 : f32
    %min3A_25 = vector.broadcast %min3A : f32 to vector<640x10xf32>
    %min3A_26 = arith.minimumf %mul3A_24, %min3A_25 : vector<640x10xf32>
    %sub3A_27 = arith.constant 1.000000e+00 : f32
    %sub3A_28 = vector.broadcast %sub3A_27 : f32 to vector<640x10xf32>
    %sub3A_29 = arith.subf %sub3A_28, %min3A_26 : vector<640x10xf32>
    %max3A = arith.constant 9.99999997E-7 : f32
    %max3A_30 = vector.broadcast %max3A : f32 to vector<640x10xf32>
    %max3A_31 = arith.maximumf %sub3A_29, %max3A_30 : vector<640x10xf32>
    %div3A_32 = arith.constant -1.000000e+00 : f32
    %div3A_33 = vector.broadcast %div3A_32 : f32 to vector<640x10xf32>
    %div3A_34 = arith.divf %div3A_33, %max3A_31 : vector<640x10xf32>
    %exp3A = math.exp %div3A_34 : vector<640x10xf32>
    %lt3A = arith.constant 1.000000e+00 : f32
    %lt3A_35 = vector.broadcast %lt3A : f32 to vector<640x10xf32>
    %lt3A_36 = arith.cmpf olt, %mul3A_24, %lt3A_35 : vector<640x10xf32>
    %jit3A = arith.constant 0.000000e+00 : f32
    %broadcast_in_dim3A_37 = vector.broadcast %jit3A : f32 to vector<640x10xf32>
    %select_n3A = arith.select %lt3A_36, %exp3A, %broadcast_in_dim3A_37 : vector<640x10xi1>, vector<640x10xf32>
    %mul3A_38 = arith.constant 2.666930e+01 : f32
    %mul3A_39 = vector.broadcast %mul3A_38 : f32 to vector<640x10xf32>
    %mul3A_40 = arith.mulf %mul3A_39, %select_n3A : vector<640x10xf32>
    %div3A_41 = arith.constant 6.000000e+00 : f32
    %div3A_42 = vector.broadcast %div3A_41 : f32 to vector<640x1xf32>
    %div3A_43 = arith.divf %sqrt3A, %div3A_42 : vector<640x1xf32>
    %sub3A_44 = arith.constant 1.000000e+00 : f32
    %sub3A_45 = vector.broadcast %sub3A_44 : f32 to vector<640x1xf32>
    %sub3A_46 = arith.subf %sub3A_45, %div3A_43 : vector<640x1xf32>
    %mul3A_47 = arith.constant 1.000000e+01 : f32
    %mul3A_48 = vector.broadcast %mul3A_47 : f32 to vector<640x1xf32>
    %mul3A_49 = arith.mulf %mul3A_48, %sub3A_46 : vector<640x1xf32>
    %gt3A = arith.constant 0.000000e+00 : f32
    %gt3A_50 = vector.broadcast %gt3A : f32 to vector<640x1xf32>
    %gt3A_51 = arith.cmpf ogt, %mul3A_49, %gt3A_50 : vector<640x1xf32>
    %max3A_52 = arith.constant 9.99999971E-10 : f32
    %max3A_53 = vector.broadcast %max3A_52 : f32 to vector<640x1xf32>
    %max3A_54 = arith.maximumf %mul3A_49, %max3A_53 : vector<640x1xf32>
    %div3A_55 = arith.constant -1.000000e+00 : f32
    %div3A_56 = vector.broadcast %div3A_55 : f32 to vector<640x1xf32>
    %div3A_57 = arith.divf %div3A_56, %max3A_54 : vector<640x1xf32>
    %exp3A_58 = math.exp %div3A_57 : vector<640x1xf32>
    %jit3A_59 = arith.constant 0.000000e+00 : f32
    %broadcast_in_dim3A_60 = vector.broadcast %jit3A_59 : f32 to vector<640x1xf32>
    %select_n3A_61 = arith.select %gt3A_51, %exp3A_58, %broadcast_in_dim3A_60 : vector<640x1xi1>, vector<640x1xf32>
    %get3A_62 = arith.constant 0 : index
    %get3A_63 = arith.constant 0 : index
    %get3A_64 = vector.load %arg3[%get3A_62, %get3A_63] : memref<10x32xf32, #tpu.memory_space<vmem>>, vector<10x32xf32>
    %dot_general3A = arith.constant dense<0.000000e+00> : vector<640x32xf32>
    %dot_general3A_65 = tpu.matmul %mul3A_40, %get3A_64, %dot_general3A {dimension_numbers = #tpu.dot_dimension_numbers<[1], [0], [0], [1], [0, 0, 1, 1], [], []>, transpose_lhs_hint = false} : vector<640x10xf32>, vector<10x32xf32>, vector<640x32xf32> -> vector<640x32xf32>
    %mul3A_66 = arith.constant 0.316227764 : f32
    %mul3A_67 = vector.broadcast %mul3A_66 : f32 to vector<640x32xf32>
    %mul3A_68 = arith.mulf %dot_general3A_65, %mul3A_67 : vector<640x32xf32>
    %logistic3A = arith.negf %mul3A_68 : vector<640x32xf32>
    %logistic3A_69 = math.exp %logistic3A : vector<640x32xf32>
    %logistic3A_70 = arith.constant 1.000000e+00 : f32
    %logistic3A_71 = vector.broadcast %logistic3A_70 : f32 to vector<640x32xf32>
    %logistic3A_72 = arith.addf %logistic3A_71, %logistic3A_69 : vector<640x32xf32>
    %logistic3A_73 = arith.divf %logistic3A_71, %logistic3A_72 : vector<640x32xf32>
    %mul3A_74 = arith.mulf %mul3A_68, %logistic3A_73 : vector<640x32xf32>
    %mul3A_75 = arith.constant 1.676600e+00 : f32
    %mul3A_76 = vector.broadcast %mul3A_75 : f32 to vector<640x32xf32>
    %mul3A_77 = arith.mulf %mul3A_74, %mul3A_76 : vector<640x32xf32>
    %get3A_78 = arith.constant 0 : index
    %get3A_79 = arith.constant 0 : index
    %get3A_80 = vector.load %arg5[%get3A_78, %get3A_79] : memref<10x32xf32, #tpu.memory_space<vmem>>, vector<10x32xf32>
    %dot_general3A_81 = arith.constant dense<0.000000e+00> : vector<640x32xf32>
    %dot_general3A_82 = tpu.matmul %mul3A_40, %get3A_80, %dot_general3A_81 {dimension_numbers = #tpu.dot_dimension_numbers<[1], [0], [0], [1], [0, 0, 1, 1], [], []>, transpose_lhs_hint = false} : vector<640x10xf32>, vector<10x32xf32>, vector<640x32xf32> -> vector<640x32xf32>
    %mul3A_83 = arith.constant 0.316227764 : f32
    %mul3A_84 = vector.broadcast %mul3A_83 : f32 to vector<640x32xf32>
    %mul3A_85 = arith.mulf %dot_general3A_82, %mul3A_84 : vector<640x32xf32>
    %logistic3A_86 = arith.negf %mul3A_85 : vector<640x32xf32>
    %logistic3A_87 = math.exp %logistic3A_86 : vector<640x32xf32>
    %logistic3A_88 = arith.constant 1.000000e+00 : f32
    %logistic3A_89 = vector.broadcast %logistic3A_88 : f32 to vector<640x32xf32>
    %logistic3A_90 = arith.addf %logistic3A_89, %logistic3A_87 : vector<640x32xf32>
    %logistic3A_91 = arith.divf %logistic3A_89, %logistic3A_90 : vector<640x32xf32>
    %mul3A_92 = arith.mulf %mul3A_85, %logistic3A_91 : vector<640x32xf32>
    %mul3A_93 = arith.constant 1.676600e+00 : f32
    %mul3A_94 = vector.broadcast %mul3A_93 : f32 to vector<640x32xf32>
    %mul3A_95 = arith.mulf %mul3A_92, %mul3A_94 : vector<640x32xf32>
    %get3A_96 = arith.constant 0 : index
    %get3A_97 = arith.constant 0 : index
    %get3A_98 = vector.load %arg4[%get3A_96, %get3A_97] : memref<32x256xf32, #tpu.memory_space<vmem>>, vector<32x256xf32>
    %dot_general3A_99 = arith.constant dense<0.000000e+00> : vector<640x256xf32>
    %dot_general3A_100 = tpu.matmul %mul3A_77, %get3A_98, %dot_general3A_99 {dimension_numbers = #tpu.dot_dimension_numbers<[1], [0], [0], [1], [0, 0, 1, 1], [], []>, transpose_lhs_hint = false} : vector<640x32xf32>, vector<32x256xf32>, vector<640x256xf32> -> vector<640x256xf32>
    %get3A_101 = arith.constant 0 : index
    %get3A_102 = arith.constant 0 : index
    %get3A_103 = vector.load %arg6[%get3A_101, %get3A_102] : memref<32x768xf32, #tpu.memory_space<vmem>>, vector<32x768xf32>
    %dot_general3A_104 = arith.constant dense<0.000000e+00> : vector<640x768xf32>
    %dot_general3A_105 = tpu.matmul %mul3A_95, %get3A_103, %dot_general3A_104 {dimension_numbers = #tpu.dot_dimension_numbers<[1], [0], [0], [1], [0, 0, 1, 1], [], []>, transpose_lhs_hint = false} : vector<640x32xf32>, vector<32x768xf32>, vector<640x768xf32> -> vector<640x768xf32>
    %iota3A_106 = tpu.iota {dimensions = array<i32: 0>} : vector<32x256xi32>
    %iota3A_107 = tpu.iota {dimensions = array<i32: 1>} : vector<32x256xi32>
    %jit3A_108 = arith.constant 8 : i32
    %div3A_109 = vector.broadcast %jit3A_108 : i32 to vector<32x256xi32>
    %div3A_110 = arith.divsi %iota3A_107, %div3A_109 : vector<32x256xi32>
    %sign3A = arith.constant 0 : i32
    %sign3A_111 = vector.broadcast %sign3A : i32 to vector<32x256xi32>
    %sign3A_112 = arith.cmpi sgt, %iota3A_107, %sign3A_111 : vector<32x256xi32>
    %sign3A_113 = arith.extui %sign3A_112 : vector<32x256xi1> to vector<32x256xi32>
    %sign3A_114 = arith.constant 0 : i32
    %sign3A_115 = vector.broadcast %sign3A_114 : i32 to vector<32x256xi32>
    %sign3A_116 = arith.cmpi slt, %iota3A_107, %sign3A_115 : vector<32x256xi32>
    %sign3A_117 = arith.extui %sign3A_116 : vector<32x256xi1> to vector<32x256xi32>
    %sign3A_118 = arith.subi %sign3A_113, %sign3A_117 : vector<32x256xi32>
    %sign3A_119 = arith.constant 0 : i32
    %sign3A_120 = arith.cmpi sgt, %jit3A_108, %sign3A_119 : i32
    %sign3A_121 = arith.extui %sign3A_120 : i1 to i32
    %sign3A_122 = arith.constant 0 : i32
    %sign3A_123 = arith.cmpi slt, %jit3A_108, %sign3A_122 : i32
    %sign3A_124 = arith.extui %sign3A_123 : i1 to i32
    %sign3A_125 = arith.subi %sign3A_121, %sign3A_124 : i32
    %ne3A = vector.broadcast %sign3A_125 : i32 to vector<32x256xi32>
    %ne3A_126 = arith.cmpi ne, %sign3A_118, %ne3A : vector<32x256xi32>
    %rem3A = vector.broadcast %jit3A_108 : i32 to vector<32x256xi32>
    %rem3A_127 = arith.remsi %iota3A_107, %rem3A : vector<32x256xi32>
    %ne3A_128 = arith.constant 0 : i32
    %ne3A_129 = vector.broadcast %ne3A_128 : i32 to vector<32x256xi32>
    %ne3A_130 = arith.cmpi ne, %rem3A_127, %ne3A_129 : vector<32x256xi32>
    %and3A = arith.andi %ne3A_126, %ne3A_130 : vector<32x256xi1>
    %sub3A_131 = arith.constant 1 : i32
    %sub3A_132 = vector.broadcast %sub3A_131 : i32 to vector<32x256xi32>
    %sub3A_133 = arith.subi %div3A_110, %sub3A_132 : vector<32x256xi32>
    %select_n3A_134 = arith.select %and3A, %sub3A_133, %div3A_110 : vector<32x256xi1>, vector<32x256xi32>
    %eq3A = arith.cmpi eq, %select_n3A_134, %iota3A_106 : vector<32x256xi32>
    %convert_element_type3A_135 = arith.extui %eq3A : vector<32x256xi1> to vector<32x256xi32>
    %convert_element_type3A_136 = arith.sitofp %convert_element_type3A_135 : vector<32x256xi32> to vector<32x256xf32>
    %dot_general3A_137 = arith.constant dense<0.000000e+00> : vector<640x256xf32>
    %dot_general3A_138 = tpu.matmul %get3A_1, %convert_element_type3A_136, %dot_general3A_137 {dimension_numbers = #tpu.dot_dimension_numbers<[1], [0], [0], [1], [0, 0, 1, 1], [], []>, transpose_lhs_hint = false} : vector<640x32xf32>, vector<32x256xf32>, vector<640x256xf32> -> vector<640x256xf32>
    %iota3A_139 = tpu.iota {dimensions = array<i32: 0>} : vector<8x256xi32>
    %iota3A_140 = tpu.iota {dimensions = array<i32: 1>} : vector<8x256xi32>
    %jit3A_141 = arith.constant 8 : i32
    %eq3A_142 = arith.constant 0 : i32
    %eq3A_143 = arith.cmpi eq, %jit3A_141, %eq3A_142 : i32
    %jit3A_144 = arith.constant 1 : i32
    %select_n3A_145 = arith.select %eq3A_143, %jit3A_144, %jit3A_141 : i32
    %rem3A_146 = vector.broadcast %select_n3A_145 : i32 to vector<8x256xi32>
    %rem3A_147 = arith.remsi %iota3A_140, %rem3A_146 : vector<8x256xi32>
    %ne3A_148 = arith.constant 0 : i32
    %ne3A_149 = vector.broadcast %ne3A_148 : i32 to vector<8x256xi32>
    %ne3A_150 = arith.cmpi ne, %rem3A_147, %ne3A_149 : vector<8x256xi32>
    %lt3A_151 = arith.constant 0 : i32
    %lt3A_152 = vector.broadcast %lt3A_151 : i32 to vector<8x256xi32>
    %lt3A_153 = arith.cmpi slt, %rem3A_147, %lt3A_152 : vector<8x256xi32>
    %lt3A_154 = arith.constant 0 : i32
    %lt3A_155 = arith.cmpi slt, %select_n3A_145, %lt3A_154 : i32
    %ne3A_156 = vector.broadcast %lt3A_155 : i1 to vector<8x256xi1>
    %ne3A_157 = vector.broadcast %ne3A_156 : vector<8x256xi1> to vector<8x256xi1>
    %ne3A_158 = arith.xori %lt3A_153, %ne3A_157 : vector<8x256xi1>
    %and3A_159 = arith.andi %ne3A_158, %ne3A_150 : vector<8x256xi1>
    %add3A_160 = vector.broadcast %select_n3A_145 : i32 to vector<8x256xi32>
    %add3A_161 = arith.addi %rem3A_147, %add3A_160 : vector<8x256xi32>
    %select_n3A_162 = arith.select %and3A_159, %add3A_161, %rem3A_147 : vector<8x256xi1>, vector<8x256xi32>
    %eq3A_163 = arith.cmpi eq, %select_n3A_162, %iota3A_139 : vector<8x256xi32>
    %convert_element_type3A_164 = arith.extui %eq3A_163 : vector<8x256xi1> to vector<8x256xi32>
    %convert_element_type3A_165 = arith.sitofp %convert_element_type3A_164 : vector<8x256xi32> to vector<8x256xf32>
    %dot_general3A_166 = arith.constant dense<0.000000e+00> : vector<640x256xf32>
    %dot_general3A_167 = tpu.matmul %get3A_4, %convert_element_type3A_165, %dot_general3A_166 {dimension_numbers = #tpu.dot_dimension_numbers<[1], [0], [0], [1], [0, 0, 1, 1], [], []>, transpose_lhs_hint = false} : vector<640x8xf32>, vector<8x256xf32>, vector<640x256xf32> -> vector<640x256xf32>
    %mul3A_168 = arith.mulf %dot_general3A_100, %dot_general3A_138 : vector<640x256xf32>
    %mul3A_169 = arith.mulf %mul3A_168, %dot_general3A_167 : vector<640x256xf32>
    %reduce_sum3A_170 = arith.constant dense<0.000000e+00> : vector<640xf32>
    %reduce_sum3A_171 = vector.multi_reduction <add>, %mul3A_169, %reduce_sum3A_170 [1] : vector<640x256xf32> to vector<640xf32>
    %broadcast_in_dim3A_172 = vector.shape_cast %reduce_sum3A_171 : vector<640xf32> to vector<640x1xf32>
    %exp3A_173 = math.exp %broadcast_in_dim3A_172 : vector<640x1xf32>
    %mul3A_174 = arith.mulf %select_n3A_61, %exp3A_173 : vector<640x1xf32>
    %sqrt3A_175 = math.sqrt %mul3A_174 : vector<640x1xf32>
    %iota3A_176 = tpu.iota {dimensions = array<i32: 0>} : vector<32x512xi32>
    %iota3A_177 = tpu.iota {dimensions = array<i32: 1>} : vector<32x512xi32>
    %jit3A_178 = arith.constant 16 : i32
    %div3A_179 = vector.broadcast %jit3A_178 : i32 to vector<32x512xi32>
    %div3A_180 = arith.divsi %iota3A_177, %div3A_179 : vector<32x512xi32>
    %sign3A_181 = arith.constant 0 : i32
    %sign3A_182 = vector.broadcast %sign3A_181 : i32 to vector<32x512xi32>
    %sign3A_183 = arith.cmpi sgt, %iota3A_177, %sign3A_182 : vector<32x512xi32>
    %sign3A_184 = arith.extui %sign3A_183 : vector<32x512xi1> to vector<32x512xi32>
    %sign3A_185 = arith.constant 0 : i32
    %sign3A_186 = vector.broadcast %sign3A_185 : i32 to vector<32x512xi32>
    %sign3A_187 = arith.cmpi slt, %iota3A_177, %sign3A_186 : vector<32x512xi32>
    %sign3A_188 = arith.extui %sign3A_187 : vector<32x512xi1> to vector<32x512xi32>
    %sign3A_189 = arith.subi %sign3A_184, %sign3A_188 : vector<32x512xi32>
    %sign3A_190 = arith.constant 0 : i32
    %sign3A_191 = arith.cmpi sgt, %jit3A_178, %sign3A_190 : i32
    %sign3A_192 = arith.extui %sign3A_191 : i1 to i32
    %sign3A_193 = arith.constant 0 : i32
    %sign3A_194 = arith.cmpi slt, %jit3A_178, %sign3A_193 : i32
    %sign3A_195 = arith.extui %sign3A_194 : i1 to i32
    %sign3A_196 = arith.subi %sign3A_192, %sign3A_195 : i32
    %ne3A_197 = vector.broadcast %sign3A_196 : i32 to vector<32x512xi32>
    %ne3A_198 = arith.cmpi ne, %sign3A_189, %ne3A_197 : vector<32x512xi32>
    %rem3A_199 = vector.broadcast %jit3A_178 : i32 to vector<32x512xi32>
    %rem3A_200 = arith.remsi %iota3A_177, %rem3A_199 : vector<32x512xi32>
    %ne3A_201 = arith.constant 0 : i32
    %ne3A_202 = vector.broadcast %ne3A_201 : i32 to vector<32x512xi32>
    %ne3A_203 = arith.cmpi ne, %rem3A_200, %ne3A_202 : vector<32x512xi32>
    %and3A_204 = arith.andi %ne3A_198, %ne3A_203 : vector<32x512xi1>
    %sub3A_205 = arith.constant 1 : i32
    %sub3A_206 = vector.broadcast %sub3A_205 : i32 to vector<32x512xi32>
    %sub3A_207 = arith.subi %div3A_180, %sub3A_206 : vector<32x512xi32>
    %select_n3A_208 = arith.select %and3A_204, %sub3A_207, %div3A_180 : vector<32x512xi1>, vector<32x512xi32>
    %eq3A_209 = arith.cmpi eq, %select_n3A_208, %iota3A_176 : vector<32x512xi32>
    %convert_element_type3A_210 = arith.extui %eq3A_209 : vector<32x512xi1> to vector<32x512xi32>
    %convert_element_type3A_211 = arith.sitofp %convert_element_type3A_210 : vector<32x512xi32> to vector<32x512xf32>
    %dot_general3A_212 = arith.constant dense<0.000000e+00> : vector<640x512xf32>
    %dot_general3A_213 = tpu.matmul %get3A_1, %convert_element_type3A_211, %dot_general3A_212 {dimension_numbers = #tpu.dot_dimension_numbers<[1], [0], [0], [1], [0, 0, 1, 1], [], []>, transpose_lhs_hint = false} : vector<640x32xf32>, vector<32x512xf32>, vector<640x512xf32> -> vector<640x512xf32>
    %slice3A = vector.extract_strided_slice %dot_general3A_105 {offsets = [0, 0], sizes = [640, 512], strides = [1, 1]} : vector<640x768xf32> to vector<640x512xf32>
    %mul3A_214 = arith.mulf %dot_general3A_213, %slice3A : vector<640x512xf32>
    %iota3A_215 = tpu.iota {dimensions = array<i32: 0>} : vector<16x512xi32>
    %iota3A_216 = tpu.iota {dimensions = array<i32: 1>} : vector<16x512xi32>
    %jit3A_217 = arith.constant 16 : i32
    %eq3A_218 = arith.constant 0 : i32
    %eq3A_219 = arith.cmpi eq, %jit3A_217, %eq3A_218 : i32
    %jit3A_220 = arith.constant 1 : i32
    %select_n3A_221 = arith.select %eq3A_219, %jit3A_220, %jit3A_217 : i32
    %rem3A_222 = vector.broadcast %select_n3A_221 : i32 to vector<16x512xi32>
    %rem3A_223 = arith.remsi %iota3A_216, %rem3A_222 : vector<16x512xi32>
    %ne3A_224 = arith.constant 0 : i32
    %ne3A_225 = vector.broadcast %ne3A_224 : i32 to vector<16x512xi32>
    %ne3A_226 = arith.cmpi ne, %rem3A_223, %ne3A_225 : vector<16x512xi32>
    %lt3A_227 = arith.constant 0 : i32
    %lt3A_228 = vector.broadcast %lt3A_227 : i32 to vector<16x512xi32>
    %lt3A_229 = arith.cmpi slt, %rem3A_223, %lt3A_228 : vector<16x512xi32>
    %lt3A_230 = arith.constant 0 : i32
    %lt3A_231 = arith.cmpi slt, %select_n3A_221, %lt3A_230 : i32
    %ne3A_232 = vector.broadcast %lt3A_231 : i1 to vector<16x512xi1>
    %ne3A_233 = vector.broadcast %ne3A_232 : vector<16x512xi1> to vector<16x512xi1>
    %ne3A_234 = arith.xori %lt3A_229, %ne3A_233 : vector<16x512xi1>
    %and3A_235 = arith.andi %ne3A_234, %ne3A_226 : vector<16x512xi1>
    %add3A_236 = vector.broadcast %select_n3A_221 : i32 to vector<16x512xi32>
    %add3A_237 = arith.addi %rem3A_223, %add3A_236 : vector<16x512xi32>
    %select_n3A_238 = arith.select %and3A_235, %add3A_237, %rem3A_223 : vector<16x512xi1>, vector<16x512xi32>
    %eq3A_239 = arith.cmpi eq, %select_n3A_238, %iota3A_215 : vector<16x512xi32>
    %convert_element_type3A_240 = arith.extui %eq3A_239 : vector<16x512xi1> to vector<16x512xi32>
    %convert_element_type3A_241 = arith.sitofp %convert_element_type3A_240 : vector<16x512xi32> to vector<16x512xf32>
    %transpose3A = tpu.transpose %convert_element_type3A_241, [1, 0] : vector<16x512xf32> -> vector<512x16xf32>
    %dot_general3A_242 = arith.constant dense<0.000000e+00> : vector<640x16xf32>
    %dot_general3A_243 = tpu.matmul %mul3A_214, %transpose3A, %dot_general3A_242 {dimension_numbers = #tpu.dot_dimension_numbers<[1], [0], [0], [1], [0, 0, 1, 1], [], []>, transpose_lhs_hint = false} : vector<640x512xf32>, vector<512x16xf32>, vector<640x16xf32> -> vector<640x16xf32>
    %slice3A_244 = vector.extract_strided_slice %dot_general3A_105 {offsets = [0, 512], sizes = [640, 256], strides = [1, 1]} : vector<640x768xf32> to vector<640x256xf32>
    %mul3A_245 = arith.mulf %dot_general3A_138, %slice3A_244 : vector<640x256xf32>
    %iota3A_246 = tpu.iota {dimensions = array<i32: 0>} : vector<8x256xi32>
    %iota3A_247 = tpu.iota {dimensions = array<i32: 1>} : vector<8x256xi32>
    %jit3A_248 = arith.constant 8 : i32
    %eq3A_249 = arith.constant 0 : i32
    %eq3A_250 = arith.cmpi eq, %jit3A_248, %eq3A_249 : i32
    %jit3A_251 = arith.constant 1 : i32
    %select_n3A_252 = arith.select %eq3A_250, %jit3A_251, %jit3A_248 : i32
    %rem3A_253 = vector.broadcast %select_n3A_252 : i32 to vector<8x256xi32>
    %rem3A_254 = arith.remsi %iota3A_247, %rem3A_253 : vector<8x256xi32>
    %ne3A_255 = arith.constant 0 : i32
    %ne3A_256 = vector.broadcast %ne3A_255 : i32 to vector<8x256xi32>
    %ne3A_257 = arith.cmpi ne, %rem3A_254, %ne3A_256 : vector<8x256xi32>
    %lt3A_258 = arith.constant 0 : i32
    %lt3A_259 = vector.broadcast %lt3A_258 : i32 to vector<8x256xi32>
    %lt3A_260 = arith.cmpi slt, %rem3A_254, %lt3A_259 : vector<8x256xi32>
    %lt3A_261 = arith.constant 0 : i32
    %lt3A_262 = arith.cmpi slt, %select_n3A_252, %lt3A_261 : i32
    %ne3A_263 = vector.broadcast %lt3A_262 : i1 to vector<8x256xi1>
    %ne3A_264 = vector.broadcast %ne3A_263 : vector<8x256xi1> to vector<8x256xi1>
    %ne3A_265 = arith.xori %lt3A_260, %ne3A_264 : vector<8x256xi1>
    %and3A_266 = arith.andi %ne3A_265, %ne3A_257 : vector<8x256xi1>
    %add3A_267 = vector.broadcast %select_n3A_252 : i32 to vector<8x256xi32>
    %add3A_268 = arith.addi %rem3A_254, %add3A_267 : vector<8x256xi32>
    %select_n3A_269 = arith.select %and3A_266, %add3A_268, %rem3A_254 : vector<8x256xi1>, vector<8x256xi32>
    %eq3A_270 = arith.cmpi eq, %select_n3A_269, %iota3A_246 : vector<8x256xi32>
    %convert_element_type3A_271 = arith.extui %eq3A_270 : vector<8x256xi1> to vector<8x256xi32>
    %convert_element_type3A_272 = arith.sitofp %convert_element_type3A_271 : vector<8x256xi32> to vector<8x256xf32>
    %transpose3A_273 = tpu.transpose %convert_element_type3A_272, [1, 0] : vector<8x256xf32> -> vector<256x8xf32>
    %dot_general3A_274 = arith.constant dense<0.000000e+00> : vector<640x8xf32>
    %dot_general3A_275 = tpu.matmul %mul3A_245, %transpose3A_273, %dot_general3A_274 {dimension_numbers = #tpu.dot_dimension_numbers<[1], [0], [0], [1], [0, 0, 1, 1], [], []>, transpose_lhs_hint = false} : vector<640x256xf32>, vector<256x8xf32>, vector<640x8xf32> -> vector<640x8xf32>
    %iota3A_276 = tpu.iota {dimensions = array<i32: 0>} : vector<3x3xi32>
    %iota3A_277 = tpu.iota {dimensions = array<i32: 1>} : vector<3x3xi32>
    %add3A_278 = arith.constant 1 : i32
    %add3A_279 = vector.broadcast %add3A_278 : i32 to vector<3x3xi32>
    %add3A_280 = arith.addi %iota3A_277, %add3A_279 : vector<3x3xi32>
    %jit3A_281 = arith.constant 3 : i32
    %eq3A_282 = arith.constant 0 : i32
    %eq3A_283 = arith.cmpi eq, %jit3A_281, %eq3A_282 : i32
    %jit3A_284 = arith.constant 1 : i32
    %select_n3A_285 = arith.select %eq3A_283, %jit3A_284, %jit3A_281 : i32
    %rem3A_286 = vector.broadcast %select_n3A_285 : i32 to vector<3x3xi32>
    %rem3A_287 = arith.remsi %add3A_280, %rem3A_286 : vector<3x3xi32>
    %ne3A_288 = arith.constant 0 : i32
    %ne3A_289 = vector.broadcast %ne3A_288 : i32 to vector<3x3xi32>
    %ne3A_290 = arith.cmpi ne, %rem3A_287, %ne3A_289 : vector<3x3xi32>
    %lt3A_291 = arith.constant 0 : i32
    %lt3A_292 = vector.broadcast %lt3A_291 : i32 to vector<3x3xi32>
    %lt3A_293 = arith.cmpi slt, %rem3A_287, %lt3A_292 : vector<3x3xi32>
    %lt3A_294 = arith.constant 0 : i32
    %lt3A_295 = arith.cmpi slt, %select_n3A_285, %lt3A_294 : i32
    %ne3A_296 = vector.broadcast %lt3A_295 : i1 to vector<3x3xi1>
    %ne3A_297 = vector.broadcast %ne3A_296 : vector<3x3xi1> to vector<3x3xi1>
    %ne3A_298 = arith.xori %lt3A_293, %ne3A_297 : vector<3x3xi1>
    %and3A_299 = arith.andi %ne3A_298, %ne3A_290 : vector<3x3xi1>
    %add3A_300 = vector.broadcast %select_n3A_285 : i32 to vector<3x3xi32>
    %add3A_301 = arith.addi %rem3A_287, %add3A_300 : vector<3x3xi32>
    %select_n3A_302 = arith.select %and3A_299, %add3A_301, %rem3A_287 : vector<3x3xi1>, vector<3x3xi32>
    %eq3A_303 = arith.cmpi eq, %iota3A_276, %select_n3A_302 : vector<3x3xi32>
    %convert_element_type3A_304 = arith.extui %eq3A_303 : vector<3x3xi1> to vector<3x3xi32>
    %convert_element_type3A_305 = arith.sitofp %convert_element_type3A_304 : vector<3x3xi32> to vector<3x3xf32>
    %dot_general3A_306 = arith.constant dense<0.000000e+00> : vector<640x3xf32>
    %dot_general3A_307 = tpu.matmul %sub3A, %convert_element_type3A_305, %dot_general3A_306 {dimension_numbers = #tpu.dot_dimension_numbers<[1], [0], [0], [1], [0, 0, 1, 1], [], []>, transpose_lhs_hint = false} : vector<640x3xf32>, vector<3x3xf32>, vector<640x3xf32> -> vector<640x3xf32>
    %max3A_308 = arith.constant 9.99999971E-10 : f32
    %max3A_309 = vector.broadcast %max3A_308 : f32 to vector<640x1xf32>
    %max3A_310 = arith.maximumf %sqrt3A, %max3A_309 : vector<640x1xf32>
    %div3A_311 = arith.constant 1.73205078 : f32
    %div3A_312 = vector.broadcast %div3A_311 : f32 to vector<640x1xf32>
    %div3A_313 = arith.divf %div3A_312, %max3A_310 : vector<640x1xf32>
    %mul3A_314 = vector.broadcast %div3A_313 : vector<640x1xf32> to vector<640x3xf32>
    %mul3A_315 = arith.mulf %dot_general3A_307, %mul3A_314 : vector<640x3xf32>
    %iota3A_316 = tpu.iota {dimensions = array<i32: 0>} : vector<8x24xi32>
    %iota3A_317 = tpu.iota {dimensions = array<i32: 1>} : vector<8x24xi32>
    %jit3A_318 = arith.constant 3 : i32
    %div3A_319 = vector.broadcast %jit3A_318 : i32 to vector<8x24xi32>
    %div3A_320 = arith.divsi %iota3A_317, %div3A_319 : vector<8x24xi32>
    %sign3A_321 = arith.constant 0 : i32
    %sign3A_322 = vector.broadcast %sign3A_321 : i32 to vector<8x24xi32>
    %sign3A_323 = arith.cmpi sgt, %iota3A_317, %sign3A_322 : vector<8x24xi32>
    %sign3A_324 = arith.extui %sign3A_323 : vector<8x24xi1> to vector<8x24xi32>
    %sign3A_325 = arith.constant 0 : i32
    %sign3A_326 = vector.broadcast %sign3A_325 : i32 to vector<8x24xi32>
    %sign3A_327 = arith.cmpi slt, %iota3A_317, %sign3A_326 : vector<8x24xi32>
    %sign3A_328 = arith.extui %sign3A_327 : vector<8x24xi1> to vector<8x24xi32>
    %sign3A_329 = arith.subi %sign3A_324, %sign3A_328 : vector<8x24xi32>
    %sign3A_330 = arith.constant 0 : i32
    %sign3A_331 = arith.cmpi sgt, %jit3A_318, %sign3A_330 : i32
    %sign3A_332 = arith.extui %sign3A_331 : i1 to i32
    %sign3A_333 = arith.constant 0 : i32
    %sign3A_334 = arith.cmpi slt, %jit3A_318, %sign3A_333 : i32
    %sign3A_335 = arith.extui %sign3A_334 : i1 to i32
    %sign3A_336 = arith.subi %sign3A_332, %sign3A_335 : i32
    %ne3A_337 = vector.broadcast %sign3A_336 : i32 to vector<8x24xi32>
    %ne3A_338 = arith.cmpi ne, %sign3A_329, %ne3A_337 : vector<8x24xi32>
    %rem3A_339 = vector.broadcast %jit3A_318 : i32 to vector<8x24xi32>
    %rem3A_340 = arith.remsi %iota3A_317, %rem3A_339 : vector<8x24xi32>
    %ne3A_341 = arith.constant 0 : i32
    %ne3A_342 = vector.broadcast %ne3A_341 : i32 to vector<8x24xi32>
    %ne3A_343 = arith.cmpi ne, %rem3A_340, %ne3A_342 : vector<8x24xi32>
    %and3A_344 = arith.andi %ne3A_338, %ne3A_343 : vector<8x24xi1>
    %sub3A_345 = arith.constant 1 : i32
    %sub3A_346 = vector.broadcast %sub3A_345 : i32 to vector<8x24xi32>
    %sub3A_347 = arith.subi %div3A_320, %sub3A_346 : vector<8x24xi32>
    %select_n3A_348 = arith.select %and3A_344, %sub3A_347, %div3A_320 : vector<8x24xi1>, vector<8x24xi32>
    %eq3A_349 = arith.cmpi eq, %select_n3A_348, %iota3A_316 : vector<8x24xi32>
    %convert_element_type3A_350 = arith.extui %eq3A_349 : vector<8x24xi1> to vector<8x24xi32>
    %convert_element_type3A_351 = arith.sitofp %convert_element_type3A_350 : vector<8x24xi32> to vector<8x24xf32>
    %dot_general3A_352 = arith.constant dense<0.000000e+00> : vector<640x24xf32>
    %dot_general3A_353 = tpu.matmul %dot_general3A_275, %convert_element_type3A_351, %dot_general3A_352 {dimension_numbers = #tpu.dot_dimension_numbers<[1], [0], [0], [1], [0, 0, 1, 1], [], []>, transpose_lhs_hint = false} : vector<640x8xf32>, vector<8x24xf32>, vector<640x24xf32> -> vector<640x24xf32>
    %iota3A_354 = tpu.iota {dimensions = array<i32: 0>} : vector<3x24xi32>
    %iota3A_355 = tpu.iota {dimensions = array<i32: 1>} : vector<3x24xi32>
    %jit3A_356 = arith.constant 3 : i32
    %eq3A_357 = arith.constant 0 : i32
    %eq3A_358 = arith.cmpi eq, %jit3A_356, %eq3A_357 : i32
    %jit3A_359 = arith.constant 1 : i32
    %select_n3A_360 = arith.select %eq3A_358, %jit3A_359, %jit3A_356 : i32
    %rem3A_361 = vector.broadcast %select_n3A_360 : i32 to vector<3x24xi32>
    %rem3A_362 = arith.remsi %iota3A_355, %rem3A_361 : vector<3x24xi32>
    %ne3A_363 = arith.constant 0 : i32
    %ne3A_364 = vector.broadcast %ne3A_363 : i32 to vector<3x24xi32>
    %ne3A_365 = arith.cmpi ne, %rem3A_362, %ne3A_364 : vector<3x24xi32>
    %lt3A_366 = arith.constant 0 : i32
    %lt3A_367 = vector.broadcast %lt3A_366 : i32 to vector<3x24xi32>
    %lt3A_368 = arith.cmpi slt, %rem3A_362, %lt3A_367 : vector<3x24xi32>
    %lt3A_369 = arith.constant 0 : i32
    %lt3A_370 = arith.cmpi slt, %select_n3A_360, %lt3A_369 : i32
    %ne3A_371 = vector.broadcast %lt3A_370 : i1 to vector<3x24xi1>
    %ne3A_372 = vector.broadcast %ne3A_371 : vector<3x24xi1> to vector<3x24xi1>
    %ne3A_373 = arith.xori %lt3A_368, %ne3A_372 : vector<3x24xi1>
    %and3A_374 = arith.andi %ne3A_373, %ne3A_365 : vector<3x24xi1>
    %add3A_375 = vector.broadcast %select_n3A_360 : i32 to vector<3x24xi32>
    %add3A_376 = arith.addi %rem3A_362, %add3A_375 : vector<3x24xi32>
    %select_n3A_377 = arith.select %and3A_374, %add3A_376, %rem3A_362 : vector<3x24xi1>, vector<3x24xi32>
    %eq3A_378 = arith.cmpi eq, %select_n3A_377, %iota3A_354 : vector<3x24xi32>
    %convert_element_type3A_379 = arith.extui %eq3A_378 : vector<3x24xi1> to vector<3x24xi32>
    %convert_element_type3A_380 = arith.sitofp %convert_element_type3A_379 : vector<3x24xi32> to vector<3x24xf32>
    %dot_general3A_381 = arith.constant dense<0.000000e+00> : vector<640x24xf32>
    %dot_general3A_382 = tpu.matmul %mul3A_315, %convert_element_type3A_380, %dot_general3A_381 {dimension_numbers = #tpu.dot_dimension_numbers<[1], [0], [0], [1], [0, 0, 1, 1], [], []>, transpose_lhs_hint = false} : vector<640x3xf32>, vector<3x24xf32>, vector<640x24xf32> -> vector<640x24xf32>
    %mul3A_383 = arith.mulf %dot_general3A_353, %dot_general3A_382 : vector<640x24xf32>
    %mul3A_384 = vector.broadcast %sqrt3A_175 : vector<640x1xf32> to vector<640x16xf32>
    %mul3A_385 = arith.mulf %mul3A_384, %dot_general3A_243 : vector<640x16xf32>
    %swap3A = arith.constant 0 : index
    %swap3A_386 = arith.constant 0 : index
    %swap3A_387 = vector.load %arg7[%swap3A, %swap3A_386] : memref<640x48xf32, #tpu.memory_space<vmem>>, vector<640x16xf32>
    tpu.vector_store %arg7[%swap3A, %swap3A_386], %mul3A_385 {strides = array<i32>} : memref<640x48xf32, #tpu.memory_space<vmem>>, vector<640x16xf32>,
    %mul3A_388 = vector.broadcast %sqrt3A_175 : vector<640x1xf32> to vector<640x24xf32>
    %mul3A_389 = arith.mulf %mul3A_388, %mul3A_383 : vector<640x24xf32>
    %swap3A_390 = arith.constant 0 : index
    %swap3A_391 = arith.constant 16 : index
    %swap3A_392 = vector.load %arg7[%swap3A_390, %swap3A_391] : memref<640x48xf32, #tpu.memory_space<vmem>>, vector<640x24xf32>
    tpu.vector_store %arg7[%swap3A_390, %swap3A_391], %mul3A_389 {strides = array<i32>} : memref<640x48xf32, #tpu.memory_space<vmem>>, vector<640x24xf32>,
    %swap3A_393 = arith.constant 0 : index
    %swap3A_394 = arith.constant 40 : index
    %swap3A_395 = vector.load %arg7[%swap3A_393, %swap3A_394] : memref<640x48xf32, #tpu.memory_space<vmem>>, vector<640x1xf32>
    tpu.vector_store %arg7[%swap3A_393, %swap3A_394], %mul3A_174 {strides = array<i32>} : memref<640x48xf32, #tpu.memory_space<vmem>>, vector<640x1xf32>,
    %broadcast_in_dim3A_396 = arith.constant 0.000000e+00 : f32
    %broadcast_in_dim3A_397 = vector.broadcast %broadcast_in_dim3A_396 : f32 to vector<640x7xf32>
    %swap3A_398 = arith.constant 0 : index
    %swap3A_399 = arith.constant 41 : index
    %swap3A_400 = vector.load %arg7[%swap3A_398, %swap3A_399] : memref<640x48xf32, #tpu.memory_space<vmem>>, vector<640x7xf32>
    tpu.vector_store %arg7[%swap3A_398, %swap3A_399], %broadcast_in_dim3A_397 {strides = array<i32>} : memref<640x48xf32, #tpu.memory_space<vmem>>, vector<640x7xf32>,
    return
  }
  func.func @transform_0(%arg0: i32) -> (i32, i32) {
    %c0_i32 = arith.constant 0 : i32
    %c0_i32_0 = arith.constant 0 : i32
    return %arg0, %c0_i32 : i32, i32
  }
  func.func @transform_1(%arg0: i32) -> (i32, i32) {
    %c0_i32 = arith.constant 0 : i32
    %c0_i32_0 = arith.constant 0 : i32
    return %arg0, %c0_i32 : i32, i32
  }
  func.func @transform_2(%arg0: i32) -> (i32, i32) {
    %c0_i32 = arith.constant 0 : i32
    %c0_i32_0 = arith.constant 0 : i32
    %c0_i32_1 = arith.constant 0 : i32
    return %c0_i32, %c0_i32_0 : i32, i32
  }
  func.func @transform_3(%arg0: i32) -> (i32, i32) {
    %c0_i32 = arith.constant 0 : i32
    %c0_i32_0 = arith.constant 0 : i32
    %c0_i32_1 = arith.constant 0 : i32
    return %c0_i32, %c0_i32_0 : i32, i32
  }
  func.func @transform_4(%arg0: i32) -> (i32, i32) {
    %c0_i32 = arith.constant 0 : i32
    %c0_i32_0 = arith.constant 0 : i32
    %c0_i32_1 = arith.constant 0 : i32
    return %c0_i32, %c0_i32_0 : i32, i32
  }
  func.func @transform_5(%arg0: i32) -> (i32, i32) {
    %c0_i32 = arith.constant 0 : i32
    %c0_i32_0 = arith.constant 0 : i32
    %c0_i32_1 = arith.constant 0 : i32
    return %c0_i32, %c0_i32_0 : i32, i32
  }
  func.func @transform_6(%arg0: i32) -> (i32, i32) {
    %c0_i32 = arith.constant 0 : i32
    %c0_i32_0 = arith.constant 0 : i32
    return %arg0, %c0_i32 : i32, i32
  }
}

module attributes {stable_mosaic.version = 14 : i64} {
  func.func @_final_body(%arg0: i32, %arg1: memref<2x1024x48xf32, #tpu.memory_space<vmem>>, %arg2: memref<1024x1xi32, #tpu.memory_space<vmem>>, %arg3: memref<64x40xf32, #tpu.memory_space<vmem>>, %arg4: memref<64x1xf32, #tpu.memory_space<vmem>>) attributes {dimension_semantics = [#tpu.dimension_semantics<arbitrary>], iteration_bounds = array<i64: 10>, scalar_prefetch = 0 : i64, scratch_operands = 0 : i64, tpu.core_type = #tpu.core_type<tc>, window_params = [{transform_indices = @transform_0, window_bounds = array<i64: 2, 1024, 48>}, {transform_indices = @transform_1, window_bounds = array<i64: 1024, 1>}, {pipeline_mode = #tpu.pipeline_mode<synchronous>, transform_indices = @transform_2, window_bounds = array<i64: 64, 40>}, {pipeline_mode = #tpu.pipeline_mode<synchronous>, transform_indices = @transform_3, window_bounds = array<i64: 64, 1>}]} {
    %get3A = arith.constant 0 : index
    %get3A_0 = arith.constant 0 : index
    %get3A_1 = arith.constant 0 : index
    %get3A_2 = vector.load %arg1[%get3A, %get3A_0, %get3A_1] : memref<2x1024x48xf32, #tpu.memory_space<vmem>>, vector<1x1024x48xf32>
    %get3A_3 = vector.shape_cast %get3A_2 : vector<1x1024x48xf32> to vector<1024x48xf32>
    %get3A_4 = arith.constant 1 : index
    %get3A_5 = arith.constant 0 : index
    %get3A_6 = arith.constant 0 : index
    %get3A_7 = vector.load %arg1[%get3A_4, %get3A_5, %get3A_6] : memref<2x1024x48xf32, #tpu.memory_space<vmem>>, vector<1x1024x48xf32>
    %get3A_8 = vector.shape_cast %get3A_7 : vector<1x1024x48xf32> to vector<1024x48xf32>
    %add3A = arith.addf %get3A_3, %get3A_8 : vector<1024x48xf32>
    %slice3A = vector.extract_strided_slice %add3A {offsets = [0, 40], sizes = [1024, 1], strides = [1, 1]} : vector<1024x48xf32> to vector<1024x1xf32>
    %gt3A = arith.constant 0.000000e+00 : f32
    %gt3A_9 = vector.broadcast %gt3A : f32 to vector<1024x1xf32>
    %gt3A_10 = arith.cmpf ogt, %slice3A, %gt3A_9 : vector<1024x1xf32>
    %max3A = arith.constant 1.000000e-30 : f32
    %max3A_11 = vector.broadcast %max3A : f32 to vector<1024x1xf32>
    %max3A_12 = arith.maximumf %slice3A, %max3A_11 : vector<1024x1xf32>
    %rsqrt3A = math.rsqrt %max3A_12 : vector<1024x1xf32>
    %jit3A = arith.constant 0.000000e+00 : f32
    %broadcast_in_dim3A = vector.broadcast %jit3A : f32 to vector<1024x1xf32>
    %select_n3A = arith.select %gt3A_10, %rsqrt3A, %broadcast_in_dim3A : vector<1024x1xi1>, vector<1024x1xf32>
    %slice3A_13 = vector.extract_strided_slice %add3A {offsets = [0, 0], sizes = [1024, 40], strides = [1, 1]} : vector<1024x48xf32> to vector<1024x40xf32>
    %mul3A = vector.broadcast %select_n3A : vector<1024x1xf32> to vector<1024x40xf32>
    %mul3A_14 = arith.mulf %slice3A_13, %mul3A : vector<1024x40xf32>
    %get3A_15 = arith.constant 0 : index
    %get3A_16 = arith.constant 0 : index
    %get3A_17 = vector.load %arg2[%get3A_15, %get3A_16] : memref<1024x1xi32, #tpu.memory_space<vmem>>, vector<1024x1xi32>
    %iota3A = tpu.iota {dimensions = array<i32: 1>} : vector<1024x64xi32>
    %eq3A = vector.broadcast %get3A_17 : vector<1024x1xi32> to vector<1024x64xi32>
    %eq3A_18 = arith.cmpi eq, %eq3A, %iota3A : vector<1024x64xi32>
    %convert_element_type3A = arith.extui %eq3A_18 : vector<1024x64xi1> to vector<1024x64xi32>
    %convert_element_type3A_19 = arith.sitofp %convert_element_type3A : vector<1024x64xi32> to vector<1024x64xf32>
    %eq3A_20 = arith.constant 0 : i32
    %eq3A_21 = arith.cmpi eq, %arg0, %eq3A_20 : i32
    %convert_element_type3A_22 = arith.extui %eq3A_21 : i1 to i32
    %cond3A = arith.constant 0 : i32
    %cond3A_23 = arith.cmpi ne, %convert_element_type3A_22, %cond3A : i32
    scf.if %cond3A_23 {
      %broadcast_in_dim3A_47 = arith.constant 0.000000e+00 : f32
      %broadcast_in_dim3A_48 = vector.broadcast %broadcast_in_dim3A_47 : f32 to vector<64x40xf32>
      %swap3A_49 = arith.constant 0 : index
      %swap3A_50 = arith.constant 0 : index
      %swap3A_51 = vector.load %arg3[%swap3A_49, %swap3A_50] : memref<64x40xf32, #tpu.memory_space<vmem>>, vector<64x40xf32>
      tpu.vector_store %arg3[%swap3A_49, %swap3A_50], %broadcast_in_dim3A_48 {strides = array<i32>} : memref<64x40xf32, #tpu.memory_space<vmem>>, vector<64x40xf32>,
      %broadcast_in_dim3A_52 = arith.constant 0.000000e+00 : f32
      %broadcast_in_dim3A_53 = vector.broadcast %broadcast_in_dim3A_52 : f32 to vector<64x1xf32>
      %swap3A_54 = arith.constant 0 : index
      %swap3A_55 = arith.constant 0 : index
      %swap3A_56 = vector.load %arg4[%swap3A_54, %swap3A_55] : memref<64x1xf32, #tpu.memory_space<vmem>>, vector<64x1xf32>
      tpu.vector_store %arg4[%swap3A_54, %swap3A_55], %broadcast_in_dim3A_53 {strides = array<i32>} : memref<64x1xf32, #tpu.memory_space<vmem>>, vector<64x1xf32>,
    } else {
    }
    %get3A_24 = arith.constant 0 : index
    %get3A_25 = arith.constant 0 : index
    %get3A_26 = vector.load %arg3[%get3A_24, %get3A_25] : memref<64x40xf32, #tpu.memory_space<vmem>>, vector<64x40xf32>
    %dot_general3A = arith.constant dense<0.000000e+00> : vector<64x40xf32>
    %dot_general3A_27 = tpu.matmul %convert_element_type3A_19, %mul3A_14, %dot_general3A {dimension_numbers = #tpu.dot_dimension_numbers<[0], [0], [1], [1], [0, 1, 1, 1], [], []>, transpose_lhs_hint = false} : vector<1024x64xf32>, vector<1024x40xf32>, vector<64x40xf32> -> vector<64x40xf32>
    %add3A_28 = arith.addf %get3A_26, %dot_general3A_27 : vector<64x40xf32>
    %swap3A = arith.constant 0 : index
    %swap3A_29 = arith.constant 0 : index
    %swap3A_30 = vector.load %arg3[%swap3A, %swap3A_29] : memref<64x40xf32, #tpu.memory_space<vmem>>, vector<64x40xf32>
    tpu.vector_store %arg3[%swap3A, %swap3A_29], %add3A_28 {strides = array<i32>} : memref<64x40xf32, #tpu.memory_space<vmem>>, vector<64x40xf32>,
    %get3A_31 = arith.constant 0 : index
    %get3A_32 = arith.constant 0 : index
    %get3A_33 = vector.load %arg4[%get3A_31, %get3A_32] : memref<64x1xf32, #tpu.memory_space<vmem>>, vector<64x1xf32>
    %broadcast_in_dim3A_34 = arith.constant 1.000000e+00 : f32
    %broadcast_in_dim3A_35 = vector.broadcast %broadcast_in_dim3A_34 : f32 to vector<1024x1xf32>
    %dot_general3A_36 = arith.constant dense<0.000000e+00> : vector<64x1xf32>
    %dot_general3A_37 = tpu.matmul %convert_element_type3A_19, %broadcast_in_dim3A_35, %dot_general3A_36 {dimension_numbers = #tpu.dot_dimension_numbers<[0], [0], [1], [1], [0, 1, 1, 1], [], []>, transpose_lhs_hint = false} : vector<1024x64xf32>, vector<1024x1xf32>, vector<64x1xf32> -> vector<64x1xf32>
    %add3A_38 = arith.addf %get3A_33, %dot_general3A_37 : vector<64x1xf32>
    %swap3A_39 = arith.constant 0 : index
    %swap3A_40 = arith.constant 0 : index
    %swap3A_41 = vector.load %arg4[%swap3A_39, %swap3A_40] : memref<64x1xf32, #tpu.memory_space<vmem>>, vector<64x1xf32>
    tpu.vector_store %arg4[%swap3A_39, %swap3A_40], %add3A_38 {strides = array<i32>} : memref<64x1xf32, #tpu.memory_space<vmem>>, vector<64x1xf32>,
    %eq3A_42 = arith.constant 9 : i32
    %eq3A_43 = arith.cmpi eq, %arg0, %eq3A_42 : i32
    %convert_element_type3A_44 = arith.extui %eq3A_43 : i1 to i32
    %cond3A_45 = arith.constant 0 : i32
    %cond3A_46 = arith.cmpi ne, %convert_element_type3A_44, %cond3A_45 : i32
    scf.if %cond3A_46 {
      %get3A_47 = arith.constant 0 : index
      %get3A_48 = arith.constant 0 : index
      %get3A_49 = vector.load %arg3[%get3A_47, %get3A_48] : memref<64x40xf32, #tpu.memory_space<vmem>>, vector<64x40xf32>
      %get3A_50 = arith.constant 0 : index
      %get3A_51 = arith.constant 0 : index
      %get3A_52 = vector.load %arg4[%get3A_50, %get3A_51] : memref<64x1xf32, #tpu.memory_space<vmem>>, vector<64x1xf32>
      %max3A_53 = arith.constant 1.000000e+00 : f32
      %max3A_54 = vector.broadcast %max3A_53 : f32 to vector<64x1xf32>
      %max3A_55 = arith.maximumf %get3A_52, %max3A_54 : vector<64x1xf32>
      %div3A = vector.broadcast %max3A_55 : vector<64x1xf32> to vector<64x40xf32>
      %div3A_56 = arith.divf %get3A_49, %div3A : vector<64x40xf32>
      %swap3A_57 = arith.constant 0 : index
      %swap3A_58 = arith.constant 0 : index
      %swap3A_59 = vector.load %arg3[%swap3A_57, %swap3A_58] : memref<64x40xf32, #tpu.memory_space<vmem>>, vector<64x40xf32>
      tpu.vector_store %arg3[%swap3A_57, %swap3A_58], %div3A_56 {strides = array<i32>} : memref<64x40xf32, #tpu.memory_space<vmem>>, vector<64x40xf32>,
    } else {
    }
    return
  }
  func.func @transform_0(%arg0: i32) -> (i32, i32, i32) {
    %c0_i32 = arith.constant 0 : i32
    %c0_i32_0 = arith.constant 0 : i32
    %c0_i32_1 = arith.constant 0 : i32
    return %c0_i32, %arg0, %c0_i32_0 : i32, i32, i32
  }
  func.func @transform_1(%arg0: i32) -> (i32, i32) {
    %c0_i32 = arith.constant 0 : i32
    %c0_i32_0 = arith.constant 0 : i32
    return %arg0, %c0_i32 : i32, i32
  }
  func.func @transform_2(%arg0: i32) -> (i32, i32) {
    %c0_i32 = arith.constant 0 : i32
    %c0_i32_0 = arith.constant 0 : i32
    %c0_i32_1 = arith.constant 0 : i32
    return %c0_i32, %c0_i32_0 : i32, i32
  }
  func.func @transform_3(%arg0: i32) -> (i32, i32) {
    %c0_i32 = arith.constant 0 : i32
    %c0_i32_0 = arith.constant 0 : i32
    %c0_i32_1 = arith.constant 0 : i32
    return %c0_i32, %c0_i32_0 : i32, i32
  }
}

</mosaic_0001>

<sc_bundles>
// kernel: kernel.10.cloned.1.call-start
scs
__scs_entry_jumppad:
0x0: {  	(pc) =	sbr.rel $0x88, $3  }
0x1: {  	(tag) =	ssettag $0x0;
	lr =	simm.s32 $0x1  }
0x2: {  	[smem:$0x3F94] =	sst lr;
	_ =	strace $0xD0000000  }
0x3: {  	_ = 	snop  }
0x4: {  	_ = 	snop  }
0x5: {  	_ = 	snop  }
0x6: {  	_ = 	snop  }
0x7: {  	_ = 	snop  }
__scs_overlays_trampoline_lowered:
0x8: {  	[smem:$0x3FA3] =	sst s0  }
0x9: {  	[smem:$0x3FA4] =	sst s1  }
0xa: {  	[smem:$0x3FA5] =	sst s2  }
0xb: {  	[smem:$0x3FA6] =	sst s3  }
0xc: {  	[smem:$0x3FA7] =	sst s4  }
0xd: {  	[smem:$0x3FA8] =	sst s5  }
0xe: {  	[smem:$0x3FA9] =	sst s6  }
0xf: {  	[smem:$0x3FAA] =	sst s7  }
0x10: {  	[smem:$0x3FAB] =	sst s8  }
0x11: {  	[smem:$0x3FAC] =	sst s9;
	s0 =	simm.s32 @!p0 $0x0  }
0x12: {  	s1 =	sld [smem:$0x3F92];
	s0 =	simm.s32 @p0 $0x1  }
0x13: {  	[smem:$0x3FAD] =	sst s0;
	s0 =	simm.s32 @!p1 $0x0  }
0x14: {  	s2 =	sld [smem:$0x3F91];
	s0 =	simm.s32 @p1 $0x1  }
0x15: {  	[smem:$0x3FAE] =	sst s0;
	s0 =	simm.s32 @!p2 $0x0  }
0x16: {  	s3 =	sld [smem:$0x3FDB];
	s0 =	simm.s32 @p2 $0x1  }
0x17: {  	s4 =	simm.s32 $0x1BF5;
	[smem:$0x3FB0] =	sst s0  }
0x18: {  	s0 =	sld [smem:$0x3F93];
	_ =	swait.ge [sflag:s4], $0x0  }
0x19: {  	s7 =	sld [smem:$0x3F94]  }
0x1a: {  	s8 =	sadd.s32 $0xFFFFE003, lr  }
0x1b: {  	s9 =	sadd.s32 $0xFFFFFEF7, lr;
	s5 =	simm.s32 $0xFFFFFFFF;
	p2 =	slt.u32 s8, $0xFFFFF086  }
0x1c: {  	p1 =	slt.u32 s9, $0xF7A;
	s5 =	simm.s32 @!p2 $0x0  }
0x1d: {  	s5 =	simm.s32 @p1 $0x1;
	p0 =	seq.s32 s7, s2  }
0x1e: {  	s7 =	smul.u32 @!p0 $0xF7A, s2;
	p2 =	seq.s32 @!p0 s5, $0x0  }
0x1f: {  	s9 =	smul.u32 $0xF7A, s1;
	s8 =	simm.s32 @!p0 $0x1BF5;
	p2 =	por !p2, p0  }
0x20: {  	[sflag:s8] =	ssyncset.s32 @!p0 $0xFFFFF086;
	s6 =	sadd.s32 @!p0 s3, s7;
	s7 =	simm.s32 @!p0 $0x108  }
0x21: {  	s3 =	sadd.s32 s3, s9;
	s6 =	sadd.s32 @!p0 $0x88, s6;
	s7 =	simm.s32 @p2 $0x1082  }
0x22: {  	[simem:s7], [sflag:s8] =	dma.local @!p0 [hbm:s6], $0xF7A  }
0x23: {  	s9 =	sor.u32 $0xD0000000, s2;
	s6 =	simm.s32 $0x108;
	_ =	swait.ge @!p0 [sflag:s8], $0x0  }
0x24: {  	s3 =	sadd.s32 $0x88, s3;
	s6 =	simm.s32 @!p1 $0x1082;
	[sflag:s4] =	ssyncset.s32 $0xFFFFF086  }
0x25: {  	[simem:s6], [sflag:s4] =	dma.local [hbm:s3], $0xF7A  }
0x26: {  	[smem:$0x3F94] =	sst s1;
	(tag) =	ssettag s2;
	_ =	strace s9  }
0x27: {  	s1 =	sld [smem:$0x3FA4]  }
0x28: {  	s2 =	sld [smem:$0x3FA5]  }
0x29: {  	s4 =	sld [smem:$0x3FA7]  }
0x2a: {  	p0 =	seq.s32 s5, $0x0;
	s5 =	sld [smem:$0x3FA8]  }
0x2b: {  	s6 =	sld [smem:$0x3FA9]  }
0x2c: {  	s7 =	sld [smem:$0x3FAA]  }
0x2d: {  	s3 =	simm.s32 $0x108;
	s8 =	sld [smem:$0x3FAB]  }
0x2e: {  	s3 =	simm.s32 @!p0 $0x1082;
	s9 =	sld [smem:$0x3FAC]  }
0x2f: {  	lr =	sadd.s32 s0, s3;
	s0 =	sld [smem:$0x3FA3]  }
0x30: {  	s3 =	sld [smem:$0x3FA6]  }
0x31: {  	[smem:$0x3FAF] =	sst s10  }
0x32: {  	s10 =	sld [smem:$0x3FAD];
	_ =	sdelay $0x3  }
0x33: {  	p0 =	seq.s32 s10, $0x1;
	s10 =	sld [smem:$0x3FAF];
	_ =	sdelay $0x3  }
0x34: {  	[smem:$0x3FAF] =	sst s10  }
0x35: {  	s10 =	sld [smem:$0x3FAE];
	_ =	sdelay $0x3  }
0x36: {  	p1 =	seq.s32 s10, $0x1;
	s10 =	sld [smem:$0x3FAF];
	_ =	sdelay $0x3  }
0x37: {  	[smem:$0x3FAF] =	sst s10  }
0x38: {  	s10 =	sld [smem:$0x3FB0]  }
0x39: {  	_ = 	snop;
	(pc) =	sbr.ind lr, $3  }
0x3a: {  	_ = 	snop  }
0x3b: {  	_ = 	snop  }
0x3c: {  	p2 =	seq.s32 s10, $0x1;
	s10 =	sld [smem:$0x3FAF]  }
0x3d: {  	_ =	shalt  }
0x3e: {  	_ =	shalt  }
0x3f: {  	_ =	shalt  }
0x40: {  	_ =	shalt  }
0x41: {  	_ =	shalt  }
0x42: {  	_ =	shalt  }
0x43: {  	_ =	shalt  }
0x44: {  	_ =	shalt  }
0x45: {  	_ =	shalt  }
0x46: {  	_ =	shalt  }
0x47: {  	_ =	shalt  }
0x48: {  	_ =	shalt  }
0x49: {  	_ =	shalt  }
0x4a: {  	_ =	shalt  }
0x4b: {  	_ =	shalt  }
0x4c: {  	_ =	shalt  }
0x4d: {  	_ =	shalt  }
0x4e: {  	_ =	shalt  }
0x4f: {  	_ =	shalt  }
0x50: {  	_ =	shalt  }
0x51: {  	_ =	shalt  }
0x52: {  	_ =	shalt  }
0x53: {  	_ =	shalt  }
0x54: {  	_ =	shalt  }
0x55: {  	_ =	shalt  }
0x56: {  	_ =	shalt  }
0x57: {  	_ =	shalt  }
0x58: {  	_ =	shalt  }
0x59: {  	_ =	shalt  }
0x5a: {  	_ =	shalt  }
0x5b: {  	_ =	shalt  }
0x5c: {  	_ =	shalt  }
0x5d: {  	_ =	shalt  }
0x5e: {  	_ =	shalt  }
0x5f: {  	_ =	shalt  }
0x60: {  	_ =	shalt  }
0x61: {  	_ =	shalt  }
0x62: {  	_ =	shalt  }
0x63: {  	_ =	shalt  }
0x64: {  	_ =	shalt  }
0x65: {  	_ =	shalt  }
0x66: {  	_ =	shalt  }
0x67: {  	_ =	shalt  }
0x68: {  	_ =	shalt  }
0x69: {  	_ =	shalt  }
0x6a: {  	_ =	shalt  }
0x6b: {  	_ =	shalt  }
0x6c: {  	_ =	shalt  }
0x6d: {  	_ =	shalt  }
0x6e: {  	_ =	shalt  }
0x6f: {  	_ =	shalt  }
0x70: {  	_ =	shalt  }
0x71: {  	_ =	shalt  }
0x72: {  	_ =	shalt  }
0x73: {  	_ =	shalt  }
0x74: {  	_ =	shalt  }
0x75: {  	_ =	shalt  }
0x76: {  	_ =	shalt  }
0x77: {  	_ =	shalt  }
0x78: {  	_ =	shalt  }
0x79: {  	_ =	shalt  }
0x7a: {  	_ =	shalt  }
0x7b: {  	_ =	shalt  }
0x7c: {  	_ =	shalt  }
0x7d: {  	_ =	shalt  }
0x7e: {  	_ =	shalt  }
0x7f: {  	_ =	shalt  }
0x80: {  	_ =	shalt  }
0x81: {  	_ =	shalt  }
0x82: {  	_ =	shalt  }
0x83: {  	_ =	shalt  }
0x84: {  	_ =	shalt  }
0x85: {  	_ =	shalt  }
0x86: {  	_ =	shalt  }
0x87: {  	_ =	shalt  }
.Lfunc_end0:
.L_simem_size_0:
called_computation.1_lowered:
.L_overlay_start_0:
0x88: {  	s2 =	sld [smem:$0x3FD9]  }
0x89: {  	s3 =	sld [smem:$0x3FFE];
	_ =	sdelay $0x1  }
0x8a: {  	s1 =	srdreg.scid  }
0x8b: {  	s0 =	sand.u32 $0x1, s1  }
0x8c: {  	s16 =	sshll.u32 s0, $0xA;
	s2 =	sadd.s32 s3, s2  }
0x8d: {  	s2 =	sadd.s32 s2, s16  }
0x8e: {  	[smem:$0x3FBB] =	sst s2  }
0x8f: {  	_ = 	snop  }
0x90: {  	(tm) =	ssettm $0x1  }
0x91: {  	s17 =	sld [smem:$0x3FFB];
	_ =	sdelay $0x3  }
0x92: {  	_ =	strace s17  }
0x93: {  	s2 =	sld [smem:$0x3FFC];
	_ =	sdelay $0x3  }
0x94: {  	_ =	strace s2  }
0x95: {  	s2 =	sld [smem:$0x3FFD];
	_ =	sdelay $0x3  }
0x96: {  	_ =	strace s2  }
0x97: {  	_ =	strace $0x8FFFFFFF  }
0x98: {  	s18 =	sld [smem:$0x3FDB];
	_ =	sdelay $0x1  }
0x99: {  	s19 =	simm.s32 $_scs_section_size  }
0x9a: {  	s4 =	simm.s32 $_size__tile_overlayer_lowered;
	s5 =	simm.s32 $_tile_overlayer_lowered  }
0x9b: {  	s22 =	simm.s32 $0x1BFF;
	s21 =	sshll.u32 s5, $0x1;
	s2 =	sadd.s32 s19, s18  }
0x9c: {  	s6 =	simm.s32 $0x0;
	s20 =	sshll.u32 s4, $0x1;
	s4 =	sadd.s32 s21, s2  }
0x9d: {  	[timem:s6], [sflag:s22] =	dma.local [hbm:s4], s20  }
0x9e: {  	_ =	swait.ge [sflag:s22], s20  }
0x9f: {  	s3 =	ssub.s32 $0x0, s20;
	[sflag:s22] =	ssyncset.done $0x0  }
0xa0: {  	[sflag:s22] =	ssyncadd.s32 s3;
	_ =	sdelay $0x1  }
0xa1: {  	s23 =	simm.s32 $0x1B8B  }
0xa2: {  	_ =	swait.ge [sflag:s23], $0x1  }
0xa3: {  	[sflag:s23] =	ssyncset.done $0x0  }
0xa4: {  	s25 =	simm.s32 $0x1B8E;
	s24 =	sld [smem:$0x3FFE];
	[sflag:s23] =	ssyncadd.s32 $0xFFFFFFFF  }
0xa5: {  	s26 =	simm.s32 $execute0_lowered;
	[smem:$0x3FD2] =	sst s25  }
0xa6: {  	s4 =	sshll.u32 s26, $0x1;
	_ =	strace $0x80000049;
	[dreg:$0x1] =	wrdreg $0xFFFFFFFF  }
0xa7: {  	s28 =	simm.s32 $_size_execute0_lowered;
	s2 =	sadd.s32 s2, s4;
	[dreg:$0x0] =	wrdreg $0x0  }
0xa8: {  	s4 =	sshll.u32 s28, $0x1;
	[dreg:$0x2] =	wrdreg s2  }
0xa9: {  	[dreg:$0x3] =	wrdreg s4  }
0xaa: {  	[dreg:$0x4] =	wrdreg $0xC0  }
0xab: {  	_ =	task [dreg:s6], $0x5FFFF  }
0xac: {  	[dreg:$0x1] =	wrdreg $0xFFFFFFFF  }
0xad: {  	[dreg:$0x0] =	wrdreg $0x60  }
0xae: {  	[dreg:$0x2] =	wrdreg s24  }
0xaf: {  	[dreg:$0x3] =	wrdreg $0x1A080  }
0xb0: {  	[dreg:$0x4] =	wrdreg $0x9  }
0xb1: {  	_ =	task.clear_ibuf [dreg:s6], $0x5FFFF;
	_ =	strace $0x90000049  }
0xb2: {  	s29 =	simm.s32 $0x9;
	_ =	strace $0x8000004B  }
0xb3: {  	_ =	swait.ge [sflag:s29], $0x1  }
0xb4: {  	[sflag:s29] =	ssyncadd.s32 $0xFFFFFFFF  }
0xb5: {  	_ =	strace $0x9000004B  }
0xb6: {  	_ =	sfence  }
0xb7: {  	s30 =	sld [smem:$0x0];
	_ =	sdelay $0x2  }
0xb8: {  	s31 =	sshll.u32 s1, $0xD;
	s1 =	sshrl.u32 s1, $0x2  }
0xb9: {  	s3 =	sand.u32 $0x4000, s31;
	s1 =	sadd.s32 s1, s30  }
0xba: {  	s0 =	sor.u32 s3, s0;
	s1 =	sshll.u32 s1, $0x11  }
0xbb: {  	s0 =	sor.u32 s1, s0  }
0xbc: {  	s0 =	sadd.s32 $0x8F2B, s0  }
0xbd: {  	[sflag:s0] =	ssyncadd.remote.s32 $0x1  }
0xbe: {  	_ =	sfence.sel $0xFFFF  }
0xbf: {  	[dreg:$0x0] =	wrdreg $0xFFFFFFFF;
	(pc) =	sbr.abs _section_cstart, $3  }
0xc0: {  	[dreg:$0x1] =	wrdreg $0xFFFFFFFF  }
0xc1: {  	_ =	task.clear_ibuf [dreg:s6], $0x2FFFF;
	_ =	strace $0x9FFFFFFF  }
0xc2: {  	(tm) =	ssettm $0x7FFFFFFF  }
0xc3: {  	_ =	shalt  }
tec
execute0_lowered:
.L_overlay_start_1:
0x0: {  	(tag) =	ssettag $0x1  }
0x1: {  	s5 =	rddreg [dreg:$0x0]  }
0x2: {  	s1 =	rddreg [dreg:$0x1]  }
0x3: {  	s0 =	rddreg [dreg:$0x2];
	s2 =	stileid.u32  }
0x4: {  	s3 =	simm.s32 $0x0;
	s4 =	srdreg.scid;
	s6 =	smul.u32 $0x7800, s2  }
0x5: {  	s18 =	simm.s32 $0x0;
	[smem:$0x7FF] =	sst s3;
	s15 =	smul.u32 $0x2710, s2  }
0x6: {  	s9 =	sand.u32 $0x1, s4;
	s24 =	sshll.u32 s2, $0x1;
	s17 =	smul.u32 $0xEA60, s2  }
0x7: {  	s10 =	sadd.s32 $0xC000, s5;
	s11 =	sadd.s32 $0x7000, s5;
	s7 =	smul.u32 $0x78000, s9  }
0x8: {  	s28 =	sshll.u32 s2, $0x6;
	_ =	strace $0x8000004A;
	s16 =	smul.u32 $0x1388, s9  }
0x9: {  	s4 =	sor.u32 s9, s24;
	s12 =	ssub.s32 $0x2, s9;
	s30 =	smul.u32 $0x7530, s9  }
0xa: {  	s8 =	smul.u32 $0x1388, s4;
	s4 =	sadd.s32 $0x2000, s5;
	s13 =	sshrl.u32 s12, $0x1  }
0xb: {  	s26 =	sadd.s32 s6, s1;
	s7 =	sadd.s32 s6, s7;
	s12 =	ssub.s32 s12, s13  }
0xc: {  	s15 =	sadd.s32 s16, s15;
	s13 =	simm.s32 $0x1;
	s16 =	simm.s32 $0x1888  }
0xd: {  	s7 =	sshrl.u32 s7, $0x3;
	s8 =	sadd.s32 $0x1380, s8;
	s9 =	smax.u32 s12, $0x1  }
0xe: {  	s31 =	sshrl.u32 s15, $0x3;
	s12 =	sshrl.u32 s26, $0x3;
	s15 =	simm.s32 $0x1880  }
0xf: {  	s14 =	sadd.s32 s7, s5;
	s25 =	smul.u32 $0x6, s8;
	s29 =	sshrl.u32 s8, $0x3  }
0x10: {  	s5 =	sor.u32 $0x1C01, s28;
	s6 =	sadd.s32 s11, s29;
	s8 =	sadd.s32 $0xF6600, s14  }
0x11: {  	s11 =	sadd.s32 s31, s11;
	s7 =	sadd.s32 s10, s25;
	s10 =	sadd.s32 s17, s10  }
0x12: {  	s14 =	simm.s32 $0x80;
	s17 =	simm.s32 $0x8;
	s10 =	sadd.s32 s30, s10  }
.LBB2_1:
0x13: {  	[spmem:s12], [sflag:s5] =	dma.local [hbm:s4], $0xF00  }
0x14: {  	_ =	swait.ge [sflag:s13], $0xF00  }
0x15: {  	[sflag:s13] =	ssyncset.done $0x0  }
0x16: {  	[sflag:s13] =	ssyncadd.s32 $0xFFFFF100  }
0x17: {  	s19 =	sadd.s32 $0x0, s11;
	[bflag:$0x0] =	sbarrier.arrive $0xFFFF  }
0x18: {  	[tilespmem:s3], [sflag:$0x1] =	stream.linear.gather [hbm4b:s19+s3], $0x80, $0x38;
	[tilespmem:$0x9208] =	vst v63  }
0x19: {  	_ =	swait.ge [sflag:s13], $0x80  }
0x1a: {  	[sflag:s13] =	ssyncset.done $0x0  }
0x1b: {  	[sflag:s13] =	ssyncadd.s32 $0xFFFFFF80  }
0x1c: {  	[tilespmem:s14], [sflag:$0x1] =	stream.linear.gather [hbm4b:s10+s3], $0x1800, $0x38;
	[tilespmem:$0x9208] =	vst v63  }
0x1d: {  	_ =	swait.ge [sflag:s13], $0x1800  }
0x1e: {  	[sflag:s13] =	ssyncset.done $0x0  }
0x1f: {  	[sflag:s13] =	ssyncadd.s32 $0xFFFFE800  }
0x20: {  	[spmem:s1] =	stream.indirect.scatter.add.f32 [tilespmem:s14], [sflag:$0x1], $0x30, s3, s14, $0xb8;
	[tilespmem:$0x9208] =	vst v63  }
0x21: {  	s20 =	simm.s32 $0x10;
	_ =	swait.ge [sflag:s13], $0x1800  }
0x22: {  	s21 =	simm.s32 $0x20;
	s19 =	sadd.s32 $0x300, s10;
	[sflag:s13] =	ssyncset.done $0x0  }
.LBB2_2:
0x23: {  	s22 =	sadd.s32 s20, s11  }
0x24: {  	[sflag:s13] =	ssyncadd.s32 $0xFFFFE800;
	s20 =	smov.u32 s21;
	s23 =	sadd.s32 $0x10, s21  }
0x25: {  	[tilespmem:s3], [sflag:$0x1] =	stream.linear.gather [hbm4b:s22+s3], $0x80, $0x38;
	[tilespmem:$0x9208] =	vst v63  }
0x26: {  	p0 =	sne.s32 s21, $0x260;
	_ =	swait.ge [sflag:s13], $0x80  }
0x27: {  	[sflag:s13] =	ssyncset.done $0x0  }
0x28: {  	[sflag:s13] =	ssyncadd.s32 $0xFFFFFF80  }
0x29: {  	[tilespmem:s14], [sflag:$0x1] =	stream.linear.gather [hbm4b:s19+s3], $0x1800, $0x38;
	[tilespmem:$0x9208] =	vst v63  }
0x2a: {  	_ =	swait.ge [sflag:s13], $0x1800  }
.Ltmp0:
0x2b: {  	[sflag:s13] =	ssyncset.done $0x0;
	(pc) =	sbr.rel @p0 .LBB2_2-.Ltmp0, $4  }
0x2c: {  	[sflag:s13] =	ssyncadd.s32 $0xFFFFE800  }
0x2d: {  	[spmem:s1] =	stream.indirect.scatter.add.f32 [tilespmem:s14], [sflag:$0x1], $0x30, s3, s14, $0xb8;
	[tilespmem:$0x9208] =	vst v63  }
0x2e: {  	_ =	swait.ge [sflag:s13], $0x1800  }
0x2f: {  	s21 =	smov.u32 s23;
	s19 =	sadd.s32 $0x300, s19;
	[sflag:s13] =	ssyncset.done $0x0  }
0x30: {  	s20 =	sadd.s32 s20, s11;
	[sflag:s13] =	ssyncadd.s32 $0xFFFFE800  }
0x31: {  	[tilespmem:s3], [sflag:$0x1] =	stream.linear.gather [hbm4b:s20+s3], $0x80, $0x38;
	[tilespmem:$0x9208] =	vst v63  }
0x32: {  	_ =	swait.ge [sflag:s13], $0x80  }
0x33: {  	[sflag:s13] =	ssyncset.done $0x0  }
0x34: {  	[sflag:s13] =	ssyncadd.s32 $0xFFFFFF80  }
0x35: {  	[tilespmem:s14], [sflag:$0x1] =	stream.linear.gather [hbm4b:s19+s3], $0x1800, $0x38;
	[tilespmem:$0x9208] =	vst v63  }
0x36: {  	_ =	swait.ge [sflag:s13], $0x1800  }
0x37: {  	[sflag:s13] =	ssyncset.done $0x0  }
0x38: {  	[sflag:s13] =	ssyncadd.s32 $0xFFFFE800  }
0x39: {  	[spmem:s1] =	stream.indirect.scatter.add.f32 [tilespmem:s14], [sflag:$0x1], $0x30, s3, s14, $0xb8;
	[tilespmem:$0x9208] =	vst v63  }
0x3a: {  	_ =	swait.ge [sflag:s13], $0x1800  }
0x3b: {  	[sflag:s13] =	ssyncset.done $0x0  }
0x3c: {  	[sflag:s13] =	ssyncadd.s32 $0xFFFFE800  }
0x3d: {  	[tilespmem:s15], [sflag:$0x1] =	stream.linear.gather [hbm4b:s6+s3], $0x8, $0x38;
	[tilespmem:$0x9208] =	vst v63  }
0x3e: {  	_ =	swait.ge [sflag:s13], $0x8  }
0x3f: {  	[sflag:s13] =	ssyncset.done $0x0  }
0x40: {  	[sflag:s13] =	ssyncadd.s32 $0xFFFFFFF8  }
0x41: {  	[tilespmem:s16], [sflag:$0x1] =	stream.linear.gather [hbm4b:s7+s3], $0x180, $0x38;
	[tilespmem:$0x9208] =	vst v63  }
0x42: {  	_ =	swait.ge [sflag:s13], $0x180  }
0x43: {  	[sflag:s13] =	ssyncset.done $0x0  }
0x44: {  	[sflag:s13] =	ssyncadd.s32 $0xFFFFFE80  }
0x45: {  	[spmem:s1] =	stream.indirect.scatter.add.f32 [tilespmem:s16], [sflag:$0x1], $0x30, s15, s17, $0xb8;
	[tilespmem:$0x9208] =	vst v63  }
0x46: {  	_ =	swait.ge [sflag:s13], $0x180  }
0x47: {  	s18 =	sadd.s32 $0x1, s18;
	[sflag:s13] =	ssyncset.done $0x0  }
0x48: {  	p0 =	sne.s32 s18, s9;
	[sflag:s13] =	ssyncadd.s32 $0xFFFFFE80  }
.Ltmp1:
0x49: {  	[bflag:$0x0] =	sbarrier.arrive $0xFFFF;
	(pc) =	sbr.rel @p0 .LBB2_1-.Ltmp1, $4  }
0x4a: {  	[hbm:s8], [sflag:s5] =	dma.local [spmem:s12], $0xF00  }
0x4b: {  	_ =	swait.ge [sflag:s13], $0xF00  }
0x4c: {  	[sflag:s13] =	ssyncset.done $0x0  }
0x4d: {  	[sflag:s13] =	ssyncadd.s32 $0xFFFFF100  }
0x4e: {  	_ =	sfence.sel $0x180000  }
0x4f: {  	[bflag:$0x0] =	sbarrier.arrive $0xFFFF  }
0x50: {  	p0 =	sne.s32 s2, $0x0;
	_ =	strace $0x9000004A  }
0x51: {  	s0 =	sadd.s32 @!p0 $0x100000, s0;
	[bflag:$0x2] =	sbarrier.arrive $0xFFFF  }
0x52: {  	[sflag:s0] =	ssyncadd.tile.s32 @!p0 $0x1;
	_ =	shalt  }
.Lfunc_end2:
_tile_overlayer_lowered:
.L_overlay_start_2:
0x53: {  	(tag) =	ssettag $0x2  }
0x54: {  	s0 =	rddreg [dreg:$0x0];
	s2 =	stileid.u32  }
0x55: {  	s1 =	rddreg [dreg:$0x1];
	p0 =	sne.s32 s2, $0x0  }
0x56: {  	s3 =	rddreg [dreg:$0x2];
	[bflag:$0x3] =	sbarrier.arrive $0xFFFF;
	s2 =	simm.s32 @!p0 $0x1C01  }
0x57: {  	[timem:s3], [sflag:s2] =	dma.local @!p0 [hbm:s0], s1  }
0x58: {  	s0 =	simm.s32 @!p0 $0x1  }
0x59: {  	_ =	swait.ge @!p0 [sflag:s0], s1  }
0x5a: {  	s1 =	ssub.s32 @!p0 $0x0, s1;
	[sflag:s0] =	ssyncset.done @!p0 $0x0  }
0x5b: {  	[sflag:s0] =	ssyncadd.s32 @!p0 s1  }
0x5c: {  	[bflag:$0x3] =	sbarrier.arrive $0xFFFF  }
0x5d: {  	_ =	shalt  }

// kernel: kernel.7.cloned.1.call-start
scs
__scs_entry_jumppad:
0x0: {  	(pc) =	sbr.rel $0x88, $3  }
0x1: {  	(tag) =	ssettag $0x0;
	lr =	simm.s32 $0x1  }
0x2: {  	[smem:$0x3F94] =	sst lr;
	_ =	strace $0xD0000000  }
0x3: {  	_ = 	snop  }
0x4: {  	_ = 	snop  }
0x5: {  	_ = 	snop  }
0x6: {  	_ = 	snop  }
0x7: {  	_ = 	snop  }
__scs_overlays_trampoline_lowered:
0x8: {  	[smem:$0x3FA3] =	sst s0  }
0x9: {  	[smem:$0x3FA4] =	sst s1  }
0xa: {  	[smem:$0x3FA5] =	sst s2  }
0xb: {  	[smem:$0x3FA6] =	sst s3  }
0xc: {  	[smem:$0x3FA7] =	sst s4  }
0xd: {  	[smem:$0x3FA8] =	sst s5  }
0xe: {  	[smem:$0x3FA9] =	sst s6  }
0xf: {  	[smem:$0x3FAA] =	sst s7  }
0x10: {  	[smem:$0x3FAB] =	sst s8  }
0x11: {  	[smem:$0x3FAC] =	sst s9;
	s0 =	simm.s32 @!p0 $0x0  }
0x12: {  	s1 =	sld [smem:$0x3F92];
	s0 =	simm.s32 @p0 $0x1  }
0x13: {  	[smem:$0x3FAD] =	sst s0;
	s0 =	simm.s32 @!p1 $0x0  }
0x14: {  	s2 =	sld [smem:$0x3F91];
	s0 =	simm.s32 @p1 $0x1  }
0x15: {  	[smem:$0x3FAE] =	sst s0;
	s0 =	simm.s32 @!p2 $0x0  }
0x16: {  	s3 =	sld [smem:$0x3FDB];
	s0 =	simm.s32 @p2 $0x1  }
0x17: {  	s4 =	simm.s32 $0x1BF5;
	[smem:$0x3FB0] =	sst s0  }
0x18: {  	s0 =	sld [smem:$0x3F93];
	_ =	swait.ge [sflag:s4], $0x0  }
0x19: {  	s7 =	sld [smem:$0x3F94]  }
0x1a: {  	s8 =	sadd.s32 $0xFFFFE003, lr  }
0x1b: {  	s9 =	sadd.s32 $0xFFFFFEF7, lr;
	s5 =	simm.s32 $0xFFFFFFFF;
	p2 =	slt.u32 s8, $0xFFFFF086  }
0x1c: {  	p1 =	slt.u32 s9, $0xF7A;
	s5 =	simm.s32 @!p2 $0x0  }
0x1d: {  	s5 =	simm.s32 @p1 $0x1;
	p0 =	seq.s32 s7, s2  }
0x1e: {  	s7 =	smul.u32 @!p0 $0xF7A, s2;
	p2 =	seq.s32 @!p0 s5, $0x0  }
0x1f: {  	s9 =	smul.u32 $0xF7A, s1;
	s8 =	simm.s32 @!p0 $0x1BF5;
	p2 =	por !p2, p0  }
0x20: {  	[sflag:s8] =	ssyncset.s32 @!p0 $0xFFFFF086;
	s6 =	sadd.s32 @!p0 s3, s7;
	s7 =	simm.s32 @!p0 $0x108  }
0x21: {  	s3 =	sadd.s32 s3, s9;
	s6 =	sadd.s32 @!p0 $0x88, s6;
	s7 =	simm.s32 @p2 $0x1082  }
0x22: {  	[simem:s7], [sflag:s8] =	dma.local @!p0 [hbm:s6], $0xF7A  }
0x23: {  	s9 =	sor.u32 $0xD0000000, s2;
	s6 =	simm.s32 $0x108;
	_ =	swait.ge @!p0 [sflag:s8], $0x0  }
0x24: {  	s3 =	sadd.s32 $0x88, s3;
	s6 =	simm.s32 @!p1 $0x1082;
	[sflag:s4] =	ssyncset.s32 $0xFFFFF086  }
0x25: {  	[simem:s6], [sflag:s4] =	dma.local [hbm:s3], $0xF7A  }
0x26: {  	[smem:$0x3F94] =	sst s1;
	(tag) =	ssettag s2;
	_ =	strace s9  }
0x27: {  	s1 =	sld [smem:$0x3FA4]  }
0x28: {  	s2 =	sld [smem:$0x3FA5]  }
0x29: {  	s4 =	sld [smem:$0x3FA7]  }
0x2a: {  	p0 =	seq.s32 s5, $0x0;
	s5 =	sld [smem:$0x3FA8]  }
0x2b: {  	s6 =	sld [smem:$0x3FA9]  }
0x2c: {  	s7 =	sld [smem:$0x3FAA]  }
0x2d: {  	s3 =	simm.s32 $0x108;
	s8 =	sld [smem:$0x3FAB]  }
0x2e: {  	s3 =	simm.s32 @!p0 $0x1082;
	s9 =	sld [smem:$0x3FAC]  }
0x2f: {  	lr =	sadd.s32 s0, s3;
	s0 =	sld [smem:$0x3FA3]  }
0x30: {  	s3 =	sld [smem:$0x3FA6]  }
0x31: {  	[smem:$0x3FAF] =	sst s10  }
0x32: {  	s10 =	sld [smem:$0x3FAD];
	_ =	sdelay $0x3  }
0x33: {  	p0 =	seq.s32 s10, $0x1;
	s10 =	sld [smem:$0x3FAF];
	_ =	sdelay $0x3  }
0x34: {  	[smem:$0x3FAF] =	sst s10  }
0x35: {  	s10 =	sld [smem:$0x3FAE];
	_ =	sdelay $0x3  }
0x36: {  	p1 =	seq.s32 s10, $0x1;
	s10 =	sld [smem:$0x3FAF];
	_ =	sdelay $0x3  }
0x37: {  	[smem:$0x3FAF] =	sst s10  }
0x38: {  	s10 =	sld [smem:$0x3FB0]  }
0x39: {  	_ = 	snop;
	(pc) =	sbr.ind lr, $3  }
0x3a: {  	_ = 	snop  }
0x3b: {  	_ = 	snop  }
0x3c: {  	p2 =	seq.s32 s10, $0x1;
	s10 =	sld [smem:$0x3FAF]  }
0x3d: {  	_ =	shalt  }
0x3e: {  	_ =	shalt  }
0x3f: {  	_ =	shalt  }
0x40: {  	_ =	shalt  }
0x41: {  	_ =	shalt  }
0x42: {  	_ =	shalt  }
0x43: {  	_ =	shalt  }
0x44: {  	_ =	shalt  }
0x45: {  	_ =	shalt  }
0x46: {  	_ =	shalt  }
0x47: {  	_ =	shalt  }
0x48: {  	_ =	shalt  }
0x49: {  	_ =	shalt  }
0x4a: {  	_ =	shalt  }
0x4b: {  	_ =	shalt  }
0x4c: {  	_ =	shalt  }
0x4d: {  	_ =	shalt  }
0x4e: {  	_ =	shalt  }
0x4f: {  	_ =	shalt  }
0x50: {  	_ =	shalt  }
0x51: {  	_ =	shalt  }
0x52: {  	_ =	shalt  }
0x53: {  	_ =	shalt  }
0x54: {  	_ =	shalt  }
0x55: {  	_ =	shalt  }
0x56: {  	_ =	shalt  }
0x57: {  	_ =	shalt  }
0x58: {  	_ =	shalt  }
0x59: {  	_ =	shalt  }
0x5a: {  	_ =	shalt  }
0x5b: {  	_ =	shalt  }
0x5c: {  	_ =	shalt  }
0x5d: {  	_ =	shalt  }
0x5e: {  	_ =	shalt  }
0x5f: {  	_ =	shalt  }
0x60: {  	_ =	shalt  }
0x61: {  	_ =	shalt  }
0x62: {  	_ =	shalt  }
0x63: {  	_ =	shalt  }
0x64: {  	_ =	shalt  }
0x65: {  	_ =	shalt  }
0x66: {  	_ =	shalt  }
0x67: {  	_ =	shalt  }
0x68: {  	_ =	shalt  }
0x69: {  	_ =	shalt  }
0x6a: {  	_ =	shalt  }
0x6b: {  	_ =	shalt  }
0x6c: {  	_ =	shalt  }
0x6d: {  	_ =	shalt  }
0x6e: {  	_ =	shalt  }
0x6f: {  	_ =	shalt  }
0x70: {  	_ =	shalt  }
0x71: {  	_ =	shalt  }
0x72: {  	_ =	shalt  }
0x73: {  	_ =	shalt  }
0x74: {  	_ =	shalt  }
0x75: {  	_ =	shalt  }
0x76: {  	_ =	shalt  }
0x77: {  	_ =	shalt  }
0x78: {  	_ =	shalt  }
0x79: {  	_ =	shalt  }
0x7a: {  	_ =	shalt  }
0x7b: {  	_ =	shalt  }
0x7c: {  	_ =	shalt  }
0x7d: {  	_ =	shalt  }
0x7e: {  	_ =	shalt  }
0x7f: {  	_ =	shalt  }
0x80: {  	_ =	shalt  }
0x81: {  	_ =	shalt  }
0x82: {  	_ =	shalt  }
0x83: {  	_ =	shalt  }
0x84: {  	_ =	shalt  }
0x85: {  	_ =	shalt  }
0x86: {  	_ =	shalt  }
0x87: {  	_ =	shalt  }
.Lfunc_end0:
.L_simem_size_0:
called_computation_lowered:
.L_overlay_start_0:
0x88: {  	s2 =	sld [smem:$0x3FD9]  }
0x89: {  	s3 =	sld [smem:$0x3FFE];
	_ =	sdelay $0x1  }
0x8a: {  	s1 =	srdreg.scid  }
0x8b: {  	s0 =	sand.u32 $0x1, s1  }
0x8c: {  	s16 =	sshll.u32 s0, $0xA;
	s2 =	sadd.s32 s3, s2  }
0x8d: {  	s2 =	sadd.s32 s2, s16  }
0x8e: {  	[smem:$0x3FBB] =	sst s2  }
0x8f: {  	_ = 	snop  }
0x90: {  	(tm) =	ssettm $0x1  }
0x91: {  	s17 =	sld [smem:$0x3FFB];
	_ =	sdelay $0x3  }
0x92: {  	_ =	strace s17  }
0x93: {  	s2 =	sld [smem:$0x3FFC];
	_ =	sdelay $0x3  }
0x94: {  	_ =	strace s2  }
0x95: {  	s2 =	sld [smem:$0x3FFD];
	_ =	sdelay $0x3  }
0x96: {  	_ =	strace s2  }
0x97: {  	_ =	strace $0x8FFFFFFF  }
0x98: {  	s18 =	sld [smem:$0x3FDB];
	_ =	sdelay $0x1  }
0x99: {  	s19 =	simm.s32 $_scs_section_size  }
0x9a: {  	s4 =	simm.s32 $_size__tile_overlayer_lowered;
	s5 =	simm.s32 $_tile_overlayer_lowered  }
0x9b: {  	s22 =	simm.s32 $0x1BFF;
	s21 =	sshll.u32 s5, $0x1;
	s2 =	sadd.s32 s19, s18  }
0x9c: {  	s6 =	simm.s32 $0x0;
	s20 =	sshll.u32 s4, $0x1;
	s4 =	sadd.s32 s21, s2  }
0x9d: {  	[timem:s6], [sflag:s22] =	dma.local [hbm:s4], s20  }
0x9e: {  	_ =	swait.ge [sflag:s22], s20  }
0x9f: {  	s3 =	ssub.s32 $0x0, s20;
	[sflag:s22] =	ssyncset.done $0x0  }
0xa0: {  	[sflag:s22] =	ssyncadd.s32 s3;
	_ =	sdelay $0x1  }
0xa1: {  	s23 =	simm.s32 $0x1B8B  }
0xa2: {  	_ =	swait.ge [sflag:s23], $0x1  }
0xa3: {  	[sflag:s23] =	ssyncset.done $0x0  }
0xa4: {  	s25 =	simm.s32 $0x1B8E;
	s24 =	sld [smem:$0x3FFE];
	[sflag:s23] =	ssyncadd.s32 $0xFFFFFFFF  }
0xa5: {  	s26 =	simm.s32 $execute0_lowered;
	[smem:$0x3FD2] =	sst s25  }
0xa6: {  	s4 =	sshll.u32 s26, $0x1;
	_ =	strace $0x80000046;
	[dreg:$0x1] =	wrdreg $0xFFFFFFFF  }
0xa7: {  	s28 =	simm.s32 $_size_execute0_lowered;
	s2 =	sadd.s32 s2, s4;
	[dreg:$0x0] =	wrdreg $0x0  }
0xa8: {  	s4 =	sshll.u32 s28, $0x1;
	[dreg:$0x2] =	wrdreg s2  }
0xa9: {  	[dreg:$0x3] =	wrdreg s4  }
0xaa: {  	[dreg:$0x4] =	wrdreg $0xC0  }
0xab: {  	_ =	task [dreg:s6], $0x5FFFF  }
0xac: {  	[dreg:$0x1] =	wrdreg $0xFFFFFFFF  }
0xad: {  	[dreg:$0x0] =	wrdreg $0x60  }
0xae: {  	[dreg:$0x2] =	wrdreg s24  }
0xaf: {  	[dreg:$0x3] =	wrdreg $0x9  }
0xb0: {  	_ =	task.clear_ibuf [dreg:s6], $0x4FFFF;
	_ =	strace $0x90000046  }
0xb1: {  	s29 =	simm.s32 $0x9;
	_ =	strace $0x80000048  }
0xb2: {  	_ =	swait.ge [sflag:s29], $0x1  }
0xb3: {  	[sflag:s29] =	ssyncadd.s32 $0xFFFFFFFF  }
0xb4: {  	_ =	strace $0x90000048  }
0xb5: {  	_ =	sfence  }
0xb6: {  	s30 =	sld [smem:$0x0];
	_ =	sdelay $0x2  }
0xb7: {  	s31 =	sshll.u32 s1, $0xD;
	s1 =	sshrl.u32 s1, $0x2  }
0xb8: {  	s3 =	sand.u32 $0x4000, s31;
	s1 =	sadd.s32 s1, s30  }
0xb9: {  	s0 =	sor.u32 s3, s0;
	s1 =	sshll.u32 s1, $0x11  }
0xba: {  	s0 =	sor.u32 s1, s0  }
0xbb: {  	s0 =	sadd.s32 $0x8F2B, s0  }
0xbc: {  	[sflag:s0] =	ssyncadd.remote.s32 $0x1  }
0xbd: {  	_ =	sfence.sel $0xFFFF  }
0xbe: {  	[dreg:$0x0] =	wrdreg $0xFFFFFFFF;
	(pc) =	sbr.abs _section_cstart, $3  }
0xbf: {  	[dreg:$0x1] =	wrdreg $0xFFFFFFFF  }
0xc0: {  	_ =	task.clear_ibuf [dreg:s6], $0x2FFFF;
	_ =	strace $0x9FFFFFFF  }
0xc1: {  	(tm) =	ssettm $0x7FFFFFFF  }
tec
execute0_lowered:
.L_overlay_start_1:
0x0: {  	(tag) =	ssettag $0x1  }
0x1: {  	s1 =	srdreg.scid;
	s0 =	stileid.u32  }
0x2: {  	s5 =	rddreg [dreg:$0x0];
	s2 =	simm.s32 $0x0;
	s21 =	simm.s32 $0x8  }
0x3: {  	s22 =	simm.s32 $0x2110;
	s23 =	simm.s32 $0x2290;
	s24 =	simm.s32 $0x0  }
0x4: {  	s10 =	sand.u32 $0x1, s1;
	s3 =	sshll.u32 s0, $0x1;
	s15 =	smul.u32 $0xEA60, s0  }
0x5: {  	[smem:$0x7FF] =	sst s2;
	s4 =	sadd.s32 $0x1AC00, s5;
	s18 =	smul.u32 $0x2710, s0  }
0x6: {  	s13 =	sadd.s32 $0x2000, s5;
	s12 =	sadd.s32 $0x7000, s5;
	s20 =	smul.u32 $0x4E20, s0  }
0x7: {  	s11 =	sadd.s32 $0x6DE00, s5;
	s14 =	sadd.s32 $0x1FC00, s5;
	s16 =	smul.u32 $0x7530, s10  }
0x8: {  	s3 =	sor.u32 s10, s3;
	s25 =	ssub.s32 $0x2, s10;
	s19 =	smul.u32 $0x1388, s10  }
0x9: {  	_ =	strace $0x80000047;
	s6 =	smul.u32 $0x1388, s3;
	s26 =	sshrl.u32 s25, $0x1  }
0xa: {  	s29 =	smul.u32 $0x2710, s10;
	s3 =	sadd.s32 $0xC000, s5;
	s17 =	ssub.s32 s25, s26  }
0xb: {  	s30 =	sadd.s32 s19, s18;
	s18 =	simm.s32 $0x1;
	s7 =	sadd.s32 $0x1380, s6  }
0xc: {  	s19 =	simm.s32 $0x2100;
	s31 =	sshrl.u32 s30, $0x3;
	s9 =	sshrl.u32 s7, $0x3  }
0xd: {  	s8 =	smul.u32 $0x6, s7;
	s28 =	sshll.u32 s7, $0x1;
	s5 =	sadd.s32 s13, s9  }
0xe: {  	s6 =	sadd.s32 s12, s9;
	s9 =	smax.u32 s17, $0x1;
	s12 =	sadd.s32 s31, s12  }
0xf: {  	s13 =	sadd.s32 s31, s13;
	s17 =	simm.s32 $0x1900;
	s7 =	sadd.s32 s11, s8  }
0x10: {  	s8 =	sadd.s32 s14, s28;
	s11 =	sadd.s32 s15, s11;
	s14 =	sadd.s32 s20, s14  }
0x11: {  	s15 =	simm.s32 $0x80;
	s20 =	simm.s32 $0x2108;
	s10 =	sadd.s32 s16, s11  }
0x12: {  	s11 =	sadd.s32 s29, s14;
	s14 =	simm.s32 $0x2;
	s16 =	simm.s32 $0x100  }
.LBB2_1:
0x13: {  	s25 =	sadd.s32 $0x0, s13  }
0x14: {  	[tilespmem:s2], [sflag:$0x2] =	stream.linear.gather [hbm4b:s25+s2], $0x80, $0x38;
	[tilespmem:$0x2310] =	vst v63  }
0x15: {  	_ =	swait.ge [sflag:s14], $0x80  }
0x16: {  	[sflag:s14] =	ssyncset.done $0x0  }
0x17: {  	s31 =	sadd.s32 $0x0, s12;
	[sflag:s14] =	ssyncadd.s32 $0xFFFFFF80  }
0x18: {  	[tilespmem:s15], [sflag:$0x2] =	stream.linear.gather [hbm4b:s31+s2], $0x80, $0x38;
	[tilespmem:$0x2310] =	vst v63  }
0x19: {  	_ =	swait.ge [sflag:s14], $0x80  }
0x1a: {  	[sflag:s14] =	ssyncset.done $0x0  }
0x1b: {  	[sflag:s14] =	ssyncadd.s32 $0xFFFFFF80  }
0x1c: {  	[tilespmem:s16], [sflag:$0x1] =	stream.indirect.gather [hbm4b:s3+s15], $0x30, s2, s15, $0xb8;
	[tilespmem:$0x2310] =	vst v63  }
0x1d: {  	_ = 	snop  }
0x1e: {  	[tilespmem:s17], [sflag:$0x1] =	stream.indirect.gather [hbm4b:s4+s15], $0x10, s15, s15, $0xb8;
	[tilespmem:$0x2310] =	vst v63  }
0x1f: {  	_ =	swait.ge [sflag:s18], $0x1800  }
0x20: {  	[sflag:s18] =	ssyncset.done $0x0  }
0x21: {  	[sflag:s18] =	ssyncadd.s32 $0xFFFFE800  }
0x22: {  	_ =	swait.ge [sflag:s18], $0x800  }
0x23: {  	[sflag:s18] =	ssyncset.done $0x0  }
0x24: {  	[sflag:s18] =	ssyncadd.s32 $0xFFFFF800  }
0x25: {  	[hbm4b:s10+s2] =	stream.linear.scatter [tilespmem:s16], [sflag:$0x2], $0x1800, $0x38;
	[tilespmem:$0x2310] =	vst v63  }
0x26: {  	_ =	swait.ge [sflag:s14], $0x1800  }
0x27: {  	[sflag:s14] =	ssyncset.done $0x0  }
0x28: {  	[sflag:s14] =	ssyncadd.s32 $0xFFFFE800  }
0x29: {  	[hbm4b:s11+s2] =	stream.linear.scatter [tilespmem:s17], [sflag:$0x2], $0x800, $0x38;
	[tilespmem:$0x2310] =	vst v63  }
0x2a: {  	s28 =	simm.s32 $0x10;
	s29 =	simm.s32 $0x20;
	_ =	swait.ge [sflag:s14], $0x800  }
0x2b: {  	s26 =	sadd.s32 $0x300, s10;
	s25 =	sadd.s32 $0x100, s11;
	[sflag:s14] =	ssyncset.done $0x0  }
.LBB2_2:
0x2c: {  	s30 =	sadd.s32 s28, s13  }
0x2d: {  	[sflag:s14] =	ssyncadd.s32 $0xFFFFF800;
	s31 =	smov.u32 s29;
	s1 =	sadd.s32 $0x10, s29  }
0x2e: {  	[tilespmem:s2], [sflag:$0x2] =	stream.linear.gather [hbm4b:s30+s2], $0x80, $0x38;
	[tilespmem:$0x2310] =	vst v63  }
0x2f: {  	p0 =	sne.s32 s29, $0x260;
	_ =	swait.ge [sflag:s14], $0x80  }
0x30: {  	[sflag:s14] =	ssyncset.done $0x0  }
0x31: {  	s29 =	sadd.s32 s28, s12;
	s28 =	smov.u32 s31;
	[sflag:s14] =	ssyncadd.s32 $0xFFFFFF80  }
0x32: {  	[tilespmem:s15], [sflag:$0x2] =	stream.linear.gather [hbm4b:s29+s2], $0x80, $0x38;
	[tilespmem:$0x2310] =	vst v63  }
0x33: {  	_ =	swait.ge [sflag:s14], $0x80  }
0x34: {  	[sflag:s14] =	ssyncset.done $0x0  }
0x35: {  	[sflag:s14] =	ssyncadd.s32 $0xFFFFFF80  }
0x36: {  	[tilespmem:s16], [sflag:$0x1] =	stream.indirect.gather [hbm4b:s3+s15], $0x30, s2, s15, $0xb8;
	[tilespmem:$0x2310] =	vst v63  }
0x37: {  	_ = 	snop  }
0x38: {  	[tilespmem:s17], [sflag:$0x1] =	stream.indirect.gather [hbm4b:s4+s15], $0x10, s15, s15, $0xb8;
	[tilespmem:$0x2310] =	vst v63  }
0x39: {  	_ =	swait.ge [sflag:s18], $0x1800  }
0x3a: {  	[sflag:s18] =	ssyncset.done $0x0  }
0x3b: {  	[sflag:s18] =	ssyncadd.s32 $0xFFFFE800  }
0x3c: {  	_ =	swait.ge [sflag:s18], $0x800  }
0x3d: {  	[sflag:s18] =	ssyncset.done $0x0  }
0x3e: {  	[sflag:s18] =	ssyncadd.s32 $0xFFFFF800  }
0x3f: {  	[hbm4b:s26+s2] =	stream.linear.scatter [tilespmem:s16], [sflag:$0x2], $0x1800, $0x38;
	[tilespmem:$0x2310] =	vst v63  }
0x40: {  	_ =	swait.ge [sflag:s14], $0x1800  }
.Ltmp0:
0x41: {  	[sflag:s14] =	ssyncset.done $0x0;
	(pc) =	sbr.rel @p0 .LBB2_2-.Ltmp0, $4  }
0x42: {  	[sflag:s14] =	ssyncadd.s32 $0xFFFFE800  }
0x43: {  	[hbm4b:s25+s2] =	stream.linear.scatter [tilespmem:s17], [sflag:$0x2], $0x800, $0x38;
	[tilespmem:$0x2310] =	vst v63  }
0x44: {  	s29 =	smov.u32 s1;
	_ =	swait.ge [sflag:s14], $0x800  }
0x45: {  	s26 =	sadd.s32 $0x300, s26;
	s25 =	sadd.s32 $0x100, s25;
	[sflag:s14] =	ssyncset.done $0x0  }
0x46: {  	s1 =	sadd.s32 s28, s13;
	[sflag:s14] =	ssyncadd.s32 $0xFFFFF800  }
0x47: {  	[tilespmem:s2], [sflag:$0x2] =	stream.linear.gather [hbm4b:s1+s2], $0x80, $0x38;
	[tilespmem:$0x2310] =	vst v63  }
0x48: {  	_ =	swait.ge [sflag:s14], $0x80  }
0x49: {  	[sflag:s14] =	ssyncset.done $0x0  }
0x4a: {  	s31 =	sadd.s32 s28, s12;
	[sflag:s14] =	ssyncadd.s32 $0xFFFFFF80  }
0x4b: {  	[tilespmem:s15], [sflag:$0x2] =	stream.linear.gather [hbm4b:s31+s2], $0x80, $0x38;
	[tilespmem:$0x2310] =	vst v63  }
0x4c: {  	_ =	swait.ge [sflag:s14], $0x80  }
0x4d: {  	[sflag:s14] =	ssyncset.done $0x0  }
0x4e: {  	[sflag:s14] =	ssyncadd.s32 $0xFFFFFF80  }
0x4f: {  	[tilespmem:s16], [sflag:$0x1] =	stream.indirect.gather [hbm4b:s3+s15], $0x30, s2, s15, $0xb8;
	[tilespmem:$0x2310] =	vst v63  }
0x50: {  	_ = 	snop  }
0x51: {  	[tilespmem:s17], [sflag:$0x1] =	stream.indirect.gather [hbm4b:s4+s15], $0x10, s15, s15, $0xb8;
	[tilespmem:$0x2310] =	vst v63  }
0x52: {  	_ =	swait.ge [sflag:s18], $0x1800  }
0x53: {  	[sflag:s18] =	ssyncset.done $0x0  }
0x54: {  	[sflag:s18] =	ssyncadd.s32 $0xFFFFE800  }
0x55: {  	_ =	swait.ge [sflag:s18], $0x800  }
0x56: {  	[sflag:s18] =	ssyncset.done $0x0  }
0x57: {  	[sflag:s18] =	ssyncadd.s32 $0xFFFFF800  }
0x58: {  	[hbm4b:s26+s2] =	stream.linear.scatter [tilespmem:s16], [sflag:$0x2], $0x1800, $0x38;
	[tilespmem:$0x2310] =	vst v63  }
0x59: {  	_ =	swait.ge [sflag:s14], $0x1800  }
0x5a: {  	[sflag:s14] =	ssyncset.done $0x0  }
0x5b: {  	[sflag:s14] =	ssyncadd.s32 $0xFFFFE800  }
0x5c: {  	[hbm4b:s25+s2] =	stream.linear.scatter [tilespmem:s17], [sflag:$0x2], $0x800, $0x38;
	[tilespmem:$0x2310] =	vst v63  }
0x5d: {  	_ =	swait.ge [sflag:s14], $0x800  }
0x5e: {  	[sflag:s14] =	ssyncset.done $0x0  }
0x5f: {  	[sflag:s14] =	ssyncadd.s32 $0xFFFFF800  }
0x60: {  	[tilespmem:s19], [sflag:$0x2] =	stream.linear.gather [hbm4b:s5+s2], $0x8, $0x38;
	[tilespmem:$0x2310] =	vst v63  }
0x61: {  	_ =	swait.ge [sflag:s14], $0x8  }
0x62: {  	[sflag:s14] =	ssyncset.done $0x0  }
0x63: {  	[sflag:s14] =	ssyncadd.s32 $0xFFFFFFF8  }
0x64: {  	[tilespmem:s20], [sflag:$0x2] =	stream.linear.gather [hbm4b:s6+s2], $0x8, $0x38;
	[tilespmem:$0x2310] =	vst v63  }
0x65: {  	_ =	swait.ge [sflag:s14], $0x8  }
0x66: {  	[sflag:s14] =	ssyncset.done $0x0  }
0x67: {  	[sflag:s14] =	ssyncadd.s32 $0xFFFFFFF8  }
0x68: {  	[tilespmem:s22], [sflag:$0x1] =	stream.indirect.gather [hbm4b:s3+s21], $0x30, s19, s21, $0xb8;
	[tilespmem:$0x2310] =	vst v63  }
0x69: {  	_ = 	snop  }
0x6a: {  	[tilespmem:s23], [sflag:$0x1] =	stream.indirect.gather [hbm4b:s4+s21], $0x10, s20, s21, $0xb8;
	[tilespmem:$0x2310] =	vst v63  }
0x6b: {  	_ =	swait.ge [sflag:s18], $0x180  }
0x6c: {  	[sflag:s18] =	ssyncset.done $0x0  }
0x6d: {  	[sflag:s18] =	ssyncadd.s32 $0xFFFFFE80  }
0x6e: {  	_ =	swait.ge [sflag:s18], $0x80  }
0x6f: {  	[sflag:s18] =	ssyncset.done $0x0  }
0x70: {  	[sflag:s18] =	ssyncadd.s32 $0xFFFFFF80  }
0x71: {  	[hbm4b:s7+s2] =	stream.linear.scatter [tilespmem:s22], [sflag:$0x2], $0x180, $0x38;
	[tilespmem:$0x2310] =	vst v63  }
0x72: {  	s24 =	sadd.s32 $0x1, s24;
	_ =	swait.ge [sflag:s14], $0x180  }
0x73: {  	p0 =	sne.s32 s24, s9;
	[sflag:s14] =	ssyncset.done $0x0  }
.Ltmp1:
0x74: {  	[sflag:s14] =	ssyncadd.s32 $0xFFFFFE80;
	(pc) =	sbr.rel @p0 .LBB2_1-.Ltmp1, $4  }
0x75: {  	[hbm4b:s8+s2] =	stream.linear.scatter [tilespmem:s23], [sflag:$0x2], $0x80, $0x38;
	[tilespmem:$0x2310] =	vst v63  }
0x76: {  	_ =	swait.ge [sflag:s14], $0x80  }
0x77: {  	[sflag:s14] =	ssyncset.done $0x0  }
0x78: {  	[sflag:s14] =	ssyncadd.s32 $0xFFFFFF80  }
0x79: {  	_ =	sfence.sel $0x180000  }
0x7a: {  	[bflag:$0x0] =	sbarrier.arrive $0xFFFF  }
0x7b: {  	_ =	strace $0x90000047  }
0x7c: {  	[bflag:$0x2] =	sbarrier.arrive $0xFFFF  }
0x7d: {  	p0 =	sne.s32 s0, $0x0;
	s0 =	rddreg [dreg:$0x1]  }
0x7e: {  	s0 =	sadd.s32 @!p0 $0x100000, s0  }
0x7f: {  	[sflag:s0] =	ssyncadd.tile.s32 @!p0 $0x1;
	_ =	shalt  }
.Lfunc_end2:
_tile_overlayer_lowered:
.L_overlay_start_2:
0x80: {  	(tag) =	ssettag $0x2  }
0x81: {  	s0 =	rddreg [dreg:$0x0];
	s2 =	stileid.u32  }
0x82: {  	s1 =	rddreg [dreg:$0x1];
	p0 =	sne.s32 s2, $0x0  }
0x83: {  	s3 =	rddreg [dreg:$0x2];
	[bflag:$0x3] =	sbarrier.arrive $0xFFFF;
	s2 =	simm.s32 @!p0 $0x1C02  }
0x84: {  	[timem:s3], [sflag:s2] =	dma.local @!p0 [hbm:s0], s1  }
0x85: {  	s0 =	simm.s32 @!p0 $0x2  }
0x86: {  	_ =	swait.ge @!p0 [sflag:s0], s1  }
0x87: {  	s1 =	ssub.s32 @!p0 $0x0, s1;
	[sflag:s0] =	ssyncset.done @!p0 $0x0  }
0x88: {  	[sflag:s0] =	ssyncadd.s32 @!p0 s1  }
0x89: {  	[bflag:$0x3] =	sbarrier.arrive $0xFFFF  }
0x8a: {  	_ =	shalt  }

</sc_bundles>
